<compile_context>
chip_gen: v7x
topology: tpu7x:2x2x1
jax: 0.10.2.dev20260603
libtpu: 0.0.44.dev20260713+nightly
codegen_flags: <defaults>
</compile_context>

<pallas_src>
import functools
import math

import jax
import jax.numpy as jnp
from jax import lax
from jax.experimental import pallas as pl
from jax.experimental.pallas import tpu as pltpu
from jax.experimental.pallas import tpu_sc as plsc

VOCAB_SIZE = 1000000
EMB = 128
SEQ = 2048
BATCH = 4

NC, NS, L = 2, 16, 16
NW = NC * NS
ROWS = SEQ * BATCH
RPW = ROWS // NW
SPW = SEQ // NW
IDX_CHUNK = 128
N_CHUNKS = RPW // IDX_CHUNK
SPC = SPW // N_CHUNKS
SCALE = math.sqrt(EMB)


def _positions():
    denom = jnp.exp(-1.0 * jnp.arange(0, EMB, 2, dtype=jnp.float32)
                    * math.log(10000.0) / EMB)
    pos = jnp.arange(0, SEQ, dtype=jnp.float32).reshape(SEQ, 1)
    p = jnp.zeros((SEQ, EMB), dtype=jnp.float32)
    p = p.at[:, 0::2].set(jnp.sin(pos * denom))
    p = p.at[:, 1::2].set(jnp.cos(pos * denom))
    return p


@functools.partial(
    pl.kernel,
    mesh=plsc.VectorSubcoreMesh(core_axis_name="c", subcore_axis_name="s"),
    out_type=jax.ShapeDtypeStruct((NW, RPW, EMB), jnp.float32),
    scratch_types=[
        pltpu.VMEM((N_CHUNKS, IDX_CHUNK), jnp.int32),
        pltpu.VMEM((RPW, EMB), jnp.float32),
        pltpu.VMEM((SPW, EMB), jnp.float32),
        pltpu.SemaphoreType.DMA((N_CHUNKS,)),
        pltpu.SemaphoreType.DMA,
        pltpu.SemaphoreType.DMA,
    ],
)
def _sc_embed(idx_hbm, pos_hbm, table_hbm, out_hbm, idx_v, rows_v, pos_v,
              gsem, wsem, psem):
    wid = lax.axis_index("s") * NC + lax.axis_index("c")
    pos_cp = pltpu.async_copy(pos_hbm.at[wid], pos_v, psem)
    pltpu.sync_copy(idx_hbm.at[wid], idx_v)
    gathers = [
        pltpu.async_copy(
            table_hbm.at[idx_v.at[c]],
            rows_v.at[pl.ds(c * IDX_CHUNK, IDX_CHUNK)],
            gsem.at[c],
        )
        for c in range(N_CHUNKS)
    ]
    pos_cp.wait()

    writes = []
    for c in range(N_CHUNKS):
        gathers[c].wait()

        @plsc.parallel_loop(0, SPC, unroll=4)
        def _body(s, c=c):
            for j in range(EMB // L):
                pv = pos_v[c * SPC + s, pl.ds(j * L, L)]
                for b in range(BATCH):
                    sl = (c * IDX_CHUNK + s * BATCH + b, pl.ds(j * L, L))
                    rows_v[sl] = rows_v[sl] * SCALE + pv

        writes.append(
            pltpu.async_copy(
                rows_v.at[pl.ds(c * IDX_CHUNK, IDX_CHUNK)],
                out_hbm.at[wid, pl.ds(c * IDX_CHUNK, IDX_CHUNK)],
                wsem,
            )
        )
    for wcp in writes:
        wcp.wait()


def kernel(x, table):
    idx = x.astype(jnp.int32).reshape(NW, N_CHUNKS, IDX_CHUNK)
    pos = _positions().reshape(NW, SPW, EMB)
    out = _sc_embed(idx, pos, table)
    return out.reshape(SEQ, BATCH, EMB)

# --- scband reference (transcript-rebuilt; emitter-appended) ---
"""Pipeline reference for scband-positional-encoding-14955076124961 (READ-ONLY COPY).

The authoritative reference and input builder live on the scoring server;
editing this copy changes nothing except your own understanding.
"""

import math
import jax, jax.numpy as jnp
import numpy as np

VOCAB_SIZE = 1000000
EMB_SIZE = 128
MAX_LEN = 2048
SEQ_LEN = 2048
BATCH = 4


def _make_positions():
    denom = jnp.exp(-1.0 * jnp.arange(0, EMB_SIZE, 2, dtype=jnp.float32) * math.log(10000.0) / EMB_SIZE)
    pos = jnp.arange(0, MAX_LEN, dtype=jnp.float32).reshape(MAX_LEN, 1)
    positions = jnp.zeros((MAX_LEN, EMB_SIZE), dtype=jnp.float32)
    positions = positions.at[:, 0::2].set(jnp.sin(pos * denom))
    positions = positions.at[:, 1::2].set(jnp.cos(pos * denom))
    return positions[:, None, :]  # [MAX_LEN, 1, EMB_SIZE]


def setup_inputs(seed: int = 0) -> dict:
    key = jax.random.key(seed)
    k1, k2 = jax.random.split(key)
    x = jax.random.randint(k1, (SEQ_LEN, BATCH), 0, VOCAB_SIZE, dtype=jnp.int64 if jax.config.read('jax_enable_x64') else jnp.int32)
    table = jax.random.normal(k2, (VOCAB_SIZE, EMB_SIZE), dtype=jnp.float32)  # nn.Embedding default init N(0,1)
    return {"x": x, "table": table}


def reference(x, table):
    positions = _make_positions()
    outputs = jnp.take(table, x, axis=0) * math.sqrt(EMB_SIZE)  # [SEQ_LEN, BATCH, EMB_SIZE]
    return outputs + positions[:outputs.shape[0], :]

if __name__ == "__main__":
    import jax
    _d = setup_inputs()
    print(jax.jit(kernel)(*tuple(_d.values())))

</pallas_src>

<mosaic_0001>
#map = affine_map<(d0, d1) -> (0, 0, 0)>
#map1 = affine_map<(d0, d1) -> (0, 0)>
module attributes {stable_mosaic.version = 14 : i64} {
  func.func @_sc_embed(%arg0: i32, %arg1: i32, %arg2: memref<32x2x128xi32, #tpu.memory_space<hbm>>, %arg3: memref<32x64x128xf32, #tpu.memory_space<hbm>>, %arg4: memref<1000000x128xf32, #tpu.memory_space<hbm>>, %arg5: memref<32x256x128xf32, #tpu.memory_space<hbm>>, %arg6: memref<2x128xi32, #tpu.memory_space<vmem>>, %arg7: memref<256x128xf32, #tpu.memory_space<vmem>>, %arg8: memref<64x128xf32, #tpu.memory_space<vmem>>, %arg9: memref<2x!tpu.dma_semaphore, #tpu.memory_space<semaphore_mem>>, %arg10: memref<!tpu.dma_semaphore, #tpu.memory_space<semaphore_mem>>, %arg11: memref<!tpu.dma_semaphore, #tpu.memory_space<semaphore_mem>>) attributes {dimension_semantics = [#tpu.dimension_semantics<core_parallel>, #tpu.dimension_semantics<subcore_parallel>], iteration_bounds = array<i64: 2, 16>, scalar_prefetch = 0 : i64, scratch_operands = 6 : i64, tpu.core_type = #tpu.core_type<sc_vector_subcore>, window_params = [{transform_indices = #map}, {transform_indices = #map}, {transform_indices = #map1}, {transform_indices = #map}]} {
    %mul3A = arith.constant 2 : i32
    %mul3A_0 = arith.muli %arg1, %mul3A : i32
    %add3A = arith.addi %mul3A_0, %arg0 : i32
    %dma_start3A = arith.constant 0 : i32
    %dma_start3A_1 = arith.constant 0 : i32
    %dma_start3A_2 = tpu.memref_slice %arg3[%add3A, %dma_start3A, %dma_start3A_1] : memref<32x64x128xf32, #tpu.memory_space<hbm>> -> memref<1x64x128xf32, #tpu.memory_space<hbm>>
    %dma_start3A_3 = tpu.memref_squeeze %dma_start3A_2 : memref<1x64x128xf32, #tpu.memory_space<hbm>> -> memref<64x128xf32, #tpu.memory_space<hbm>>
    %dma_start3A_4 = arith.constant 0 : i32
    %dma_start3A_5 = arith.constant 0 : i32
    %dma_start3A_6 = tpu.memref_slice %arg3[%add3A, %dma_start3A_4, %dma_start3A_5] : memref<32x64x128xf32, #tpu.memory_space<hbm>> -> memref<1x64x128xf32, #tpu.memory_space<hbm>>
    %dma_start3A_7 = tpu.memref_squeeze %dma_start3A_6 : memref<1x64x128xf32, #tpu.memory_space<hbm>> -> memref<64x128xf32, #tpu.memory_space<hbm>>
    tpu.enqueue_dma source(%dma_start3A_7 : memref<64x128xf32, #tpu.memory_space<hbm>>) target(%arg8 : memref<64x128xf32, #tpu.memory_space<vmem>>) target_semaphore(%arg11 : memref<!tpu.dma_semaphore, #tpu.memory_space<semaphore_mem>>)
    "tpu.region"() ({
      %run_scoped3A = tpu.sem_alloc : memref<!tpu.dma_semaphore, #tpu.memory_space<semaphore_mem>>
      %dma_start3A_128 = arith.constant 0 : i32
      %dma_start3A_129 = arith.constant 0 : i32
      %dma_start3A_130 = tpu.memref_slice %arg2[%add3A, %dma_start3A_128, %dma_start3A_129] : memref<32x2x128xi32, #tpu.memory_space<hbm>> -> memref<1x2x128xi32, #tpu.memory_space<hbm>>
      %dma_start3A_131 = tpu.memref_squeeze %dma_start3A_130 : memref<1x2x128xi32, #tpu.memory_space<hbm>> -> memref<2x128xi32, #tpu.memory_space<hbm>>
      %dma_start3A_132 = arith.constant 0 : i32
      %dma_start3A_133 = arith.constant 0 : i32
      %dma_start3A_134 = tpu.memref_slice %arg2[%add3A, %dma_start3A_132, %dma_start3A_133] : memref<32x2x128xi32, #tpu.memory_space<hbm>> -> memref<1x2x128xi32, #tpu.memory_space<hbm>>
      %dma_start3A_135 = tpu.memref_squeeze %dma_start3A_134 : memref<1x2x128xi32, #tpu.memory_space<hbm>> -> memref<2x128xi32, #tpu.memory_space<hbm>>
      tpu.enqueue_dma source(%dma_start3A_135 : memref<2x128xi32, #tpu.memory_space<hbm>>) target(%arg6 : memref<2x128xi32, #tpu.memory_space<vmem>>) target_semaphore(%run_scoped3A : memref<!tpu.dma_semaphore, #tpu.memory_space<semaphore_mem>>)
      %dma_wait3A_136 = arith.constant 0 : i32
      %dma_wait3A_137 = arith.constant 0 : i32
      %dma_wait3A_138 = tpu.memref_slice %arg2[%add3A, %dma_wait3A_136, %dma_wait3A_137] : memref<32x2x128xi32, #tpu.memory_space<hbm>> -> memref<1x2x128xi32, #tpu.memory_space<hbm>>
      %dma_wait3A_139 = tpu.memref_squeeze %dma_wait3A_138 : memref<1x2x128xi32, #tpu.memory_space<hbm>> -> memref<2x128xi32, #tpu.memory_space<hbm>>
      %dma_wait3A_140 = arith.constant 0 : i32
      %dma_wait3A_141 = arith.constant 0 : i32
      %dma_wait3A_142 = tpu.memref_slice %arg2[%add3A, %dma_wait3A_140, %dma_wait3A_141] : memref<32x2x128xi32, #tpu.memory_space<hbm>> -> memref<1x2x128xi32, #tpu.memory_space<hbm>>
      %dma_wait3A_143 = tpu.memref_squeeze %dma_wait3A_142 : memref<1x2x128xi32, #tpu.memory_space<hbm>> -> memref<2x128xi32, #tpu.memory_space<hbm>>
      tpu.wait_dma2 semaphore(%run_scoped3A : memref<!tpu.dma_semaphore, #tpu.memory_space<semaphore_mem>>) src(%dma_wait3A_143 : memref<2x128xi32, #tpu.memory_space<hbm>>) dst(%arg6 : memref<2x128xi32, #tpu.memory_space<vmem>>)
      tpu.yield
    }) : () -> ()
    %dma_start3A_8 = arith.constant 0 : i32
    %dma_start3A_9 = arith.constant 0 : i32
    %dma_start3A_10 = arith.constant 0 : i32
    %dma_start3A_11 = arith.constant 0 : i32
    %dma_start3A_12 = tpu.memref_slice %arg7[%dma_start3A_10, %dma_start3A_11] : memref<256x128xf32, #tpu.memory_space<vmem>> -> memref<128x128xf32, #tpu.memory_space<vmem>>
    %dma_start3A_13 = arith.constant 0 : i32
    %dma_start3A_14 = tpu.memref_slice %arg6[%dma_start3A_8, %dma_start3A_13] : memref<2x128xi32, #tpu.memory_space<vmem>> -> memref<1x128xi32, #tpu.memory_space<vmem>>
    %dma_start3A_15 = tpu.memref_squeeze %dma_start3A_14 : memref<1x128xi32, #tpu.memory_space<vmem>> -> memref<128xi32, #tpu.memory_space<vmem>>
    %dma_start3A_16 = arith.constant 0 : i32
    %dma_start3A_17 = arith.constant 0 : i32
    %dma_start3A_18 = tpu.memref_slice %arg4[%dma_start3A_16, %dma_start3A_17] : memref<1000000x128xf32, #tpu.memory_space<hbm>> -> memref<1000000x128xf32, #tpu.memory_space<hbm>>
    %dma_start3A_19 = tpu.memref_slice %arg9[%dma_start3A_9] : memref<2x!tpu.dma_semaphore, #tpu.memory_space<semaphore_mem>> -> memref<1x!tpu.dma_semaphore, #tpu.memory_space<semaphore_mem>>
    %dma_start3A_20 = tpu.memref_squeeze %dma_start3A_19 : memref<1x!tpu.dma_semaphore, #tpu.memory_space<semaphore_mem>> -> memref<!tpu.dma_semaphore, #tpu.memory_space<semaphore_mem>>
    tpu.enqueue_indirect_dma source(%dma_start3A_18 : memref<1000000x128xf32, #tpu.memory_space<hbm>>) target(%dma_start3A_12 : memref<128x128xf32, #tpu.memory_space<vmem>>) offsets(%dma_start3A_15 : memref<128xi32, #tpu.memory_space<vmem>>) semaphore(%dma_start3A_20 : memref<!tpu.dma_semaphore, #tpu.memory_space<semaphore_mem>>)
    %dma_start3A_21 = arith.constant 1 : i32
    %dma_start3A_22 = arith.constant 1 : i32
    %dma_start3A_23 = arith.constant 128 : i32
    %dma_start3A_24 = arith.constant 0 : i32
    %dma_start3A_25 = tpu.memref_slice %arg7[%dma_start3A_23, %dma_start3A_24] : memref<256x128xf32, #tpu.memory_space<vmem>> -> memref<128x128xf32, #tpu.memory_space<vmem>>
    %dma_start3A_26 = arith.constant 0 : i32
    %dma_start3A_27 = tpu.memref_slice %arg6[%dma_start3A_21, %dma_start3A_26] : memref<2x128xi32, #tpu.memory_space<vmem>> -> memref<1x128xi32, #tpu.memory_space<vmem>>
    %dma_start3A_28 = tpu.memref_squeeze %dma_start3A_27 : memref<1x128xi32, #tpu.memory_space<vmem>> -> memref<128xi32, #tpu.memory_space<vmem>>
    %dma_start3A_29 = arith.constant 0 : i32
    %dma_start3A_30 = arith.constant 0 : i32
    %dma_start3A_31 = tpu.memref_slice %arg4[%dma_start3A_29, %dma_start3A_30] : memref<1000000x128xf32, #tpu.memory_space<hbm>> -> memref<1000000x128xf32, #tpu.memory_space<hbm>>
    %dma_start3A_32 = tpu.memref_slice %arg9[%dma_start3A_22] : memref<2x!tpu.dma_semaphore, #tpu.memory_space<semaphore_mem>> -> memref<1x!tpu.dma_semaphore, #tpu.memory_space<semaphore_mem>>
    %dma_start3A_33 = tpu.memref_squeeze %dma_start3A_32 : memref<1x!tpu.dma_semaphore, #tpu.memory_space<semaphore_mem>> -> memref<!tpu.dma_semaphore, #tpu.memory_space<semaphore_mem>>
    tpu.enqueue_indirect_dma source(%dma_start3A_31 : memref<1000000x128xf32, #tpu.memory_space<hbm>>) target(%dma_start3A_25 : memref<128x128xf32, #tpu.memory_space<vmem>>) offsets(%dma_start3A_28 : memref<128xi32, #tpu.memory_space<vmem>>) semaphore(%dma_start3A_33 : memref<!tpu.dma_semaphore, #tpu.memory_space<semaphore_mem>>)
    %dma_wait3A = arith.constant 0 : i32
    %dma_wait3A_34 = arith.constant 0 : i32
    %dma_wait3A_35 = tpu.memref_slice %arg3[%add3A, %dma_wait3A, %dma_wait3A_34] : memref<32x64x128xf32, #tpu.memory_space<hbm>> -> memref<1x64x128xf32, #tpu.memory_space<hbm>>
    %dma_wait3A_36 = tpu.memref_squeeze %dma_wait3A_35 : memref<1x64x128xf32, #tpu.memory_space<hbm>> -> memref<64x128xf32, #tpu.memory_space<hbm>>
    %dma_wait3A_37 = arith.constant 0 : i32
    %dma_wait3A_38 = arith.constant 0 : i32
    %dma_wait3A_39 = tpu.memref_slice %arg3[%add3A, %dma_wait3A_37, %dma_wait3A_38] : memref<32x64x128xf32, #tpu.memory_space<hbm>> -> memref<1x64x128xf32, #tpu.memory_space<hbm>>
    %dma_wait3A_40 = tpu.memref_squeeze %dma_wait3A_39 : memref<1x64x128xf32, #tpu.memory_space<hbm>> -> memref<64x128xf32, #tpu.memory_space<hbm>>
    tpu.wait_dma2 semaphore(%arg11 : memref<!tpu.dma_semaphore, #tpu.memory_space<semaphore_mem>>) src(%dma_wait3A_40 : memref<64x128xf32, #tpu.memory_space<hbm>>) dst(%arg8 : memref<64x128xf32, #tpu.memory_space<vmem>>)
    %dma_wait3A_41 = arith.constant 0 : i32
    %dma_wait3A_42 = arith.constant 0 : i32
    %dma_wait3A_43 = arith.constant 0 : i32
    %dma_wait3A_44 = arith.constant 0 : i32
    %dma_wait3A_45 = tpu.memref_slice %arg7[%dma_wait3A_43, %dma_wait3A_44] : memref<256x128xf32, #tpu.memory_space<vmem>> -> memref<128x128xf32, #tpu.memory_space<vmem>>
    %dma_wait3A_46 = arith.constant 0 : i32
    %dma_wait3A_47 = tpu.memref_slice %arg6[%dma_wait3A_41, %dma_wait3A_46] : memref<2x128xi32, #tpu.memory_space<vmem>> -> memref<1x128xi32, #tpu.memory_space<vmem>>
    %dma_wait3A_48 = tpu.memref_squeeze %dma_wait3A_47 : memref<1x128xi32, #tpu.memory_space<vmem>> -> memref<128xi32, #tpu.memory_space<vmem>>
    %dma_wait3A_49 = arith.constant 0 : i32
    %dma_wait3A_50 = arith.constant 0 : i32
    %dma_wait3A_51 = tpu.memref_slice %arg4[%dma_wait3A_49, %dma_wait3A_50] : memref<1000000x128xf32, #tpu.memory_space<hbm>> -> memref<1000000x128xf32, #tpu.memory_space<hbm>>
    %dma_wait3A_52 = tpu.memref_slice %arg9[%dma_wait3A_42] : memref<2x!tpu.dma_semaphore, #tpu.memory_space<semaphore_mem>> -> memref<1x!tpu.dma_semaphore, #tpu.memory_space<semaphore_mem>>
    %dma_wait3A_53 = tpu.memref_squeeze %dma_wait3A_52 : memref<1x!tpu.dma_semaphore, #tpu.memory_space<semaphore_mem>> -> memref<!tpu.dma_semaphore, #tpu.memory_space<semaphore_mem>>
    tpu.wait_indirect_dma semaphore(%dma_wait3A_53 : memref<!tpu.dma_semaphore, #tpu.memory_space<semaphore_mem>>) src(%dma_wait3A_51 : memref<1000000x128xf32, #tpu.memory_space<hbm>>) dst(%dma_wait3A_45 : memref<128x128xf32, #tpu.memory_space<vmem>>)
    %parallel_loop3A = arith.constant 0 : i32
    %parallel_loop3A_54 = arith.constant 32 : i32
    %parallel_loop3A_55 = arith.constant 1 : i32
    scf.for %parallel_loop3A_128 = %parallel_loop3A to %parallel_loop3A_54 step %parallel_loop3A_55  : i32 {
      %parallel_loop3A_129 = arith.constant 0 : i32
      %parallel_loop3A_130 = arith.addi %parallel_loop3A_129, %parallel_loop3A_128 : i32
      %parallel_loop3A_131 = arith.index_cast %parallel_loop3A_130 : i32 to index
      %parallel_loop3A_132 = arith.constant 0 : index
      %parallel_loop3A_133 = tpu.vector_load %arg8[%parallel_loop3A_131, %parallel_loop3A_132] {strides = array<i32>} : memref<64x128xf32, #tpu.memory_space<vmem>>, vector<1x16xf32>,
      %parallel_loop3A_134 = vector.shape_cast %parallel_loop3A_133 : vector<1x16xf32> to vector<16xf32>
      %parallel_loop3A_135 = arith.constant 4 : i32
      %parallel_loop3A_136 = arith.muli %parallel_loop3A_128, %parallel_loop3A_135 : i32
      %parallel_loop3A_137 = arith.constant 0 : i32
      %parallel_loop3A_138 = arith.addi %parallel_loop3A_137, %parallel_loop3A_136 : i32
      %parallel_loop3A_139 = arith.constant 0 : i32
      %parallel_loop3A_140 = arith.addi %parallel_loop3A_138, %parallel_loop3A_139 : i32
      %parallel_loop3A_141 = arith.index_cast %parallel_loop3A_140 : i32 to index
      %parallel_loop3A_142 = arith.constant 0 : index
      %parallel_loop3A_143 = tpu.vector_load %arg7[%parallel_loop3A_141, %parallel_loop3A_142] {strides = array<i32>} : memref<256x128xf32, #tpu.memory_space<vmem>>, vector<1x16xf32>,
      %parallel_loop3A_144 = vector.shape_cast %parallel_loop3A_143 : vector<1x16xf32> to vector<16xf32>
      %parallel_loop3A_145 = arith.constant 11.3137083 : f32
      %parallel_loop3A_146 = vector.broadcast %parallel_loop3A_145 : f32 to vector<16xf32>
      %parallel_loop3A_147 = arith.mulf %parallel_loop3A_144, %parallel_loop3A_146 : vector<16xf32>
      %parallel_loop3A_148 = arith.addf %parallel_loop3A_147, %parallel_loop3A_134 : vector<16xf32>
      %parallel_loop3A_149 = arith.index_cast %parallel_loop3A_140 : i32 to index
      %parallel_loop3A_150 = arith.constant 0 : index
      %parallel_loop3A_151 = tpu.vector_load %arg7[%parallel_loop3A_149, %parallel_loop3A_150] {strides = array<i32>} : memref<256x128xf32, #tpu.memory_space<vmem>>, vector<1x16xf32>,
      %parallel_loop3A_152 = vector.shape_cast %parallel_loop3A_151 : vector<1x16xf32> to vector<16xf32>
      %parallel_loop3A_153 = vector.shape_cast %parallel_loop3A_148 : vector<16xf32> to vector<1x16xf32>
      tpu.vector_store %arg7[%parallel_loop3A_149, %parallel_loop3A_150], %parallel_loop3A_153 {strides = array<i32>} : memref<256x128xf32, #tpu.memory_space<vmem>>, vector<1x16xf32>,
      %parallel_loop3A_154 = arith.constant 4 : i32
      %parallel_loop3A_155 = arith.muli %parallel_loop3A_128, %parallel_loop3A_154 : i32
      %parallel_loop3A_156 = arith.constant 0 : i32
      %parallel_loop3A_157 = arith.addi %parallel_loop3A_156, %parallel_loop3A_155 : i32
      %parallel_loop3A_158 = arith.constant 1 : i32
      %parallel_loop3A_159 = arith.addi %parallel_loop3A_157, %parallel_loop3A_158 : i32
      %parallel_loop3A_160 = arith.index_cast %parallel_loop3A_159 : i32 to index
      %parallel_loop3A_161 = arith.constant 0 : index
      %parallel_loop3A_162 = tpu.vector_load %arg7[%parallel_loop3A_160, %parallel_loop3A_161] {strides = array<i32>} : memref<256x128xf32, #tpu.memory_space<vmem>>, vector<1x16xf32>,
      %parallel_loop3A_163 = vector.shape_cast %parallel_loop3A_162 : vector<1x16xf32> to vector<16xf32>
      %parallel_loop3A_164 = arith.constant 11.3137083 : f32
      %parallel_loop3A_165 = vector.broadcast %parallel_loop3A_164 : f32 to vector<16xf32>
      %parallel_loop3A_166 = arith.mulf %parallel_loop3A_163, %parallel_loop3A_165 : vector<16xf32>
      %parallel_loop3A_167 = arith.addf %parallel_loop3A_166, %parallel_loop3A_134 : vector<16xf32>
      %parallel_loop3A_168 = arith.index_cast %parallel_loop3A_159 : i32 to index
      %parallel_loop3A_169 = arith.constant 0 : index
      %parallel_loop3A_170 = tpu.vector_load %arg7[%parallel_loop3A_168, %parallel_loop3A_169] {strides = array<i32>} : memref<256x128xf32, #tpu.memory_space<vmem>>, vector<1x16xf32>,
      %parallel_loop3A_171 = vector.shape_cast %parallel_loop3A_170 : vector<1x16xf32> to vector<16xf32>
      %parallel_loop3A_172 = vector.shape_cast %parallel_loop3A_167 : vector<16xf32> to vector<1x16xf32>
      tpu.vector_store %arg7[%parallel_loop3A_168, %parallel_loop3A_169], %parallel_loop3A_172 {strides = array<i32>} : memref<256x128xf32, #tpu.memory_space<vmem>>, vector<1x16xf32>,
      %parallel_loop3A_173 = arith.constant 4 : i32
      %parallel_loop3A_174 = arith.muli %parallel_loop3A_128, %parallel_loop3A_173 : i32
      %parallel_loop3A_175 = arith.constant 0 : i32
      %parallel_loop3A_176 = arith.addi %parallel_loop3A_175, %parallel_loop3A_174 : i32
      %parallel_loop3A_177 = arith.constant 2 : i32
      %parallel_loop3A_178 = arith.addi %parallel_loop3A_176, %parallel_loop3A_177 : i32
      %parallel_loop3A_179 = arith.index_cast %parallel_loop3A_178 : i32 to index
      %parallel_loop3A_180 = arith.constant 0 : index
      %parallel_loop3A_181 = tpu.vector_load %arg7[%parallel_loop3A_179, %parallel_loop3A_180] {strides = array<i32>} : memref<256x128xf32, #tpu.memory_space<vmem>>, vector<1x16xf32>,
      %parallel_loop3A_182 = vector.shape_cast %parallel_loop3A_181 : vector<1x16xf32> to vector<16xf32>
      %parallel_loop3A_183 = arith.constant 11.3137083 : f32
      %parallel_loop3A_184 = vector.broadcast %parallel_loop3A_183 : f32 to vector<16xf32>
      %parallel_loop3A_185 = arith.mulf %parallel_loop3A_182, %parallel_loop3A_184 : vector<16xf32>
      %parallel_loop3A_186 = arith.addf %parallel_loop3A_185, %parallel_loop3A_134 : vector<16xf32>
      %parallel_loop3A_187 = arith.index_cast %parallel_loop3A_178 : i32 to index
      %parallel_loop3A_188 = arith.constant 0 : index
      %parallel_loop3A_189 = tpu.vector_load %arg7[%parallel_loop3A_187, %parallel_loop3A_188] {strides = array<i32>} : memref<256x128xf32, #tpu.memory_space<vmem>>, vector<1x16xf32>,
      %parallel_loop3A_190 = vector.shape_cast %parallel_loop3A_189 : vector<1x16xf32> to vector<16xf32>
      %parallel_loop3A_191 = vector.shape_cast %parallel_loop3A_186 : vector<16xf32> to vector<1x16xf32>
      tpu.vector_store %arg7[%parallel_loop3A_187, %parallel_loop3A_188], %parallel_loop3A_191 {strides = array<i32>} : memref<256x128xf32, #tpu.memory_space<vmem>>, vector<1x16xf32>,
      %parallel_loop3A_192 = arith.constant 4 : i32
      %parallel_loop3A_193 = arith.muli %parallel_loop3A_128, %parallel_loop3A_192 : i32
      %parallel_loop3A_194 = arith.constant 0 : i32
      %parallel_loop3A_195 = arith.addi %parallel_loop3A_194, %parallel_loop3A_193 : i32
      %parallel_loop3A_196 = arith.constant 3 : i32
      %parallel_loop3A_197 = arith.addi %parallel_loop3A_195, %parallel_loop3A_196 : i32
      %parallel_loop3A_198 = arith.index_cast %parallel_loop3A_197 : i32 to index
      %parallel_loop3A_199 = arith.constant 0 : index
      %parallel_loop3A_200 = tpu.vector_load %arg7[%parallel_loop3A_198, %parallel_loop3A_199] {strides = array<i32>} : memref<256x128xf32, #tpu.memory_space<vmem>>, vector<1x16xf32>,
      %parallel_loop3A_201 = vector.shape_cast %parallel_loop3A_200 : vector<1x16xf32> to vector<16xf32>
      %parallel_loop3A_202 = arith.constant 11.3137083 : f32
      %parallel_loop3A_203 = vector.broadcast %parallel_loop3A_202 : f32 to vector<16xf32>
      %parallel_loop3A_204 = arith.mulf %parallel_loop3A_201, %parallel_loop3A_203 : vector<16xf32>
      %parallel_loop3A_205 = arith.addf %parallel_loop3A_204, %parallel_loop3A_134 : vector<16xf32>
      %parallel_loop3A_206 = arith.index_cast %parallel_loop3A_197 : i32 to index
      %parallel_loop3A_207 = arith.constant 0 : index
      %parallel_loop3A_208 = tpu.vector_load %arg7[%parallel_loop3A_206, %parallel_loop3A_207] {strides = array<i32>} : memref<256x128xf32, #tpu.memory_space<vmem>>, vector<1x16xf32>,
      %parallel_loop3A_209 = vector.shape_cast %parallel_loop3A_208 : vector<1x16xf32> to vector<16xf32>
      %parallel_loop3A_210 = vector.shape_cast %parallel_loop3A_205 : vector<16xf32> to vector<1x16xf32>
      tpu.vector_store %arg7[%parallel_loop3A_206, %parallel_loop3A_207], %parallel_loop3A_210 {strides = array<i32>} : memref<256x128xf32, #tpu.memory_space<vmem>>, vector<1x16xf32>,
      %parallel_loop3A_211 = arith.constant 0 : i32
      %parallel_loop3A_212 = arith.addi %parallel_loop3A_211, %parallel_loop3A_128 : i32
      %parallel_loop3A_213 = arith.index_cast %parallel_loop3A_212 : i32 to index
      %parallel_loop3A_214 = arith.constant 16 : index
      %parallel_loop3A_215 = tpu.vector_load %arg8[%parallel_loop3A_213, %parallel_loop3A_214] {strides = array<i32>} : memref<64x128xf32, #tpu.memory_space<vmem>>, vector<1x16xf32>,
      %parallel_loop3A_216 = vector.shape_cast %parallel_loop3A_215 : vector<1x16xf32> to vector<16xf32>
      %parallel_loop3A_217 = arith.constant 4 : i32
      %parallel_loop3A_218 = arith.muli %parallel_loop3A_128, %parallel_loop3A_217 : i32
      %parallel_loop3A_219 = arith.constant 0 : i32
      %parallel_loop3A_220 = arith.addi %parallel_loop3A_219, %parallel_loop3A_218 : i32
      %parallel_loop3A_221 = arith.constant 0 : i32
      %parallel_loop3A_222 = arith.addi %parallel_loop3A_220, %parallel_loop3A_221 : i32
      %parallel_loop3A_223 = arith.index_cast %parallel_loop3A_222 : i32 to index
      %parallel_loop3A_224 = arith.constant 16 : index
      %parallel_loop3A_225 = tpu.vector_load %arg7[%parallel_loop3A_223, %parallel_loop3A_224] {strides = array<i32>} : memref<256x128xf32, #tpu.memory_space<vmem>>, vector<1x16xf32>,
      %parallel_loop3A_226 = vector.shape_cast %parallel_loop3A_225 : vector<1x16xf32> to vector<16xf32>
      %parallel_loop3A_227 = arith.constant 11.3137083 : f32
      %parallel_loop3A_228 = vector.broadcast %parallel_loop3A_227 : f32 to vector<16xf32>
      %parallel_loop3A_229 = arith.mulf %parallel_loop3A_226, %parallel_loop3A_228 : vector<16xf32>
      %parallel_loop3A_230 = arith.addf %parallel_loop3A_229, %parallel_loop3A_216 : vector<16xf32>
      %parallel_loop3A_231 = arith.index_cast %parallel_loop3A_222 : i32 to index
      %parallel_loop3A_232 = arith.constant 16 : index
      %parallel_loop3A_233 = tpu.vector_load %arg7[%parallel_loop3A_231, %parallel_loop3A_232] {strides = array<i32>} : memref<256x128xf32, #tpu.memory_space<vmem>>, vector<1x16xf32>,
      %parallel_loop3A_234 = vector.shape_cast %parallel_loop3A_233 : vector<1x16xf32> to vector<16xf32>
      %parallel_loop3A_235 = vector.shape_cast %parallel_loop3A_230 : vector<16xf32> to vector<1x16xf32>
      tpu.vector_store %arg7[%parallel_loop3A_231, %parallel_loop3A_232], %parallel_loop3A_235 {strides = array<i32>} : memref<256x128xf32, #tpu.memory_space<vmem>>, vector<1x16xf32>,
      %parallel_loop3A_236 = arith.constant 4 : i32
      %parallel_loop3A_237 = arith.muli %parallel_loop3A_128, %parallel_loop3A_236 : i32
      %parallel_loop3A_238 = arith.constant 0 : i32
      %parallel_loop3A_239 = arith.addi %parallel_loop3A_238, %parallel_loop3A_237 : i32
      %parallel_loop3A_240 = arith.constant 1 : i32
      %parallel_loop3A_241 = arith.addi %parallel_loop3A_239, %parallel_loop3A_240 : i32
      %parallel_loop3A_242 = arith.index_cast %parallel_loop3A_241 : i32 to index
      %parallel_loop3A_243 = arith.constant 16 : index
      %parallel_loop3A_244 = tpu.vector_load %arg7[%parallel_loop3A_242, %parallel_loop3A_243] {strides = array<i32>} : memref<256x128xf32, #tpu.memory_space<vmem>>, vector<1x16xf32>,
      %parallel_loop3A_245 = vector.shape_cast %parallel_loop3A_244 : vector<1x16xf32> to vector<16xf32>
      %parallel_loop3A_246 = arith.constant 11.3137083 : f32
      %parallel_loop3A_247 = vector.broadcast %parallel_loop3A_246 : f32 to vector<16xf32>
      %parallel_loop3A_248 = arith.mulf %parallel_loop3A_245, %parallel_loop3A_247 : vector<16xf32>
      %parallel_loop3A_249 = arith.addf %parallel_loop3A_248, %parallel_loop3A_216 : vector<16xf32>
      %parallel_loop3A_250 = arith.index_cast %parallel_loop3A_241 : i32 to index
      %parallel_loop3A_251 = arith.constant 16 : index
      %parallel_loop3A_252 = tpu.vector_load %arg7[%parallel_loop3A_250, %parallel_loop3A_251] {strides = array<i32>} : memref<256x128xf32, #tpu.memory_space<vmem>>, vector<1x16xf32>,
      %parallel_loop3A_253 = vector.shape_cast %parallel_loop3A_252 : vector<1x16xf32> to vector<16xf32>
      %parallel_loop3A_254 = vector.shape_cast %parallel_loop3A_249 : vector<16xf32> to vector<1x16xf32>
      tpu.vector_store %arg7[%parallel_loop3A_250, %parallel_loop3A_251], %parallel_loop3A_254 {strides = array<i32>} : memref<256x128xf32, #tpu.memory_space<vmem>>, vector<1x16xf32>,
      %parallel_loop3A_255 = arith.constant 4 : i32
      %parallel_loop3A_256 = arith.muli %parallel_loop3A_128, %parallel_loop3A_255 : i32
      %parallel_loop3A_257 = arith.constant 0 : i32
      %parallel_loop3A_258 = arith.addi %parallel_loop3A_257, %parallel_loop3A_256 : i32
      %parallel_loop3A_259 = arith.constant 2 : i32
      %parallel_loop3A_260 = arith.addi %parallel_loop3A_258, %parallel_loop3A_259 : i32
      %parallel_loop3A_261 = arith.index_cast %parallel_loop3A_260 : i32 to index
      %parallel_loop3A_262 = arith.constant 16 : index
      %parallel_loop3A_263 = tpu.vector_load %arg7[%parallel_loop3A_261, %parallel_loop3A_262] {strides = array<i32>} : memref<256x128xf32, #tpu.memory_space<vmem>>, vector<1x16xf32>,
      %parallel_loop3A_264 = vector.shape_cast %parallel_loop3A_263 : vector<1x16xf32> to vector<16xf32>
      %parallel_loop3A_265 = arith.constant 11.3137083 : f32
      %parallel_loop3A_266 = vector.broadcast %parallel_loop3A_265 : f32 to vector<16xf32>
      %parallel_loop3A_267 = arith.mulf %parallel_loop3A_264, %parallel_loop3A_266 : vector<16xf32>
      %parallel_loop3A_268 = arith.addf %parallel_loop3A_267, %parallel_loop3A_216 : vector<16xf32>
      %parallel_loop3A_269 = arith.index_cast %parallel_loop3A_260 : i32 to index
      %parallel_loop3A_270 = arith.constant 16 : index
      %parallel_loop3A_271 = tpu.vector_load %arg7[%parallel_loop3A_269, %parallel_loop3A_270] {strides = array<i32>} : memref<256x128xf32, #tpu.memory_space<vmem>>, vector<1x16xf32>,
      %parallel_loop3A_272 = vector.shape_cast %parallel_loop3A_271 : vector<1x16xf32> to vector<16xf32>
      %parallel_loop3A_273 = vector.shape_cast %parallel_loop3A_268 : vector<16xf32> to vector<1x16xf32>
      tpu.vector_store %arg7[%parallel_loop3A_269, %parallel_loop3A_270], %parallel_loop3A_273 {strides = array<i32>} : memref<256x128xf32, #tpu.memory_space<vmem>>, vector<1x16xf32>,
      %parallel_loop3A_274 = arith.constant 4 : i32
      %parallel_loop3A_275 = arith.muli %parallel_loop3A_128, %parallel_loop3A_274 : i32
      %parallel_loop3A_276 = arith.constant 0 : i32
      %parallel_loop3A_277 = arith.addi %parallel_loop3A_276, %parallel_loop3A_275 : i32
      %parallel_loop3A_278 = arith.constant 3 : i32
      %parallel_loop3A_279 = arith.addi %parallel_loop3A_277, %parallel_loop3A_278 : i32
      %parallel_loop3A_280 = arith.index_cast %parallel_loop3A_279 : i32 to index
      %parallel_loop3A_281 = arith.constant 16 : index
      %parallel_loop3A_282 = tpu.vector_load %arg7[%parallel_loop3A_280, %parallel_loop3A_281] {strides = array<i32>} : memref<256x128xf32, #tpu.memory_space<vmem>>, vector<1x16xf32>,
      %parallel_loop3A_283 = vector.shape_cast %parallel_loop3A_282 : vector<1x16xf32> to vector<16xf32>
      %parallel_loop3A_284 = arith.constant 11.3137083 : f32
      %parallel_loop3A_285 = vector.broadcast %parallel_loop3A_284 : f32 to vector<16xf32>
      %parallel_loop3A_286 = arith.mulf %parallel_loop3A_283, %parallel_loop3A_285 : vector<16xf32>
      %parallel_loop3A_287 = arith.addf %parallel_loop3A_286, %parallel_loop3A_216 : vector<16xf32>
      %parallel_loop3A_288 = arith.index_cast %parallel_loop3A_279 : i32 to index
      %parallel_loop3A_289 = arith.constant 16 : index
      %parallel_loop3A_290 = tpu.vector_load %arg7[%parallel_loop3A_288, %parallel_loop3A_289] {strides = array<i32>} : memref<256x128xf32, #tpu.memory_space<vmem>>, vector<1x16xf32>,
      %parallel_loop3A_291 = vector.shape_cast %parallel_loop3A_290 : vector<1x16xf32> to vector<16xf32>
      %parallel_loop3A_292 = vector.shape_cast %parallel_loop3A_287 : vector<16xf32> to vector<1x16xf32>
      tpu.vector_store %arg7[%parallel_loop3A_288, %parallel_loop3A_289], %parallel_loop3A_292 {strides = array<i32>} : memref<256x128xf32, #tpu.memory_space<vmem>>, vector<1x16xf32>,
      %parallel_loop3A_293 = arith.constant 0 : i32
      %parallel_loop3A_294 = arith.addi %parallel_loop3A_293, %parallel_loop3A_128 : i32
      %parallel_loop3A_295 = arith.index_cast %parallel_loop3A_294 : i32 to index
      %parallel_loop3A_296 = arith.constant 32 : index
      %parallel_loop3A_297 = tpu.vector_load %arg8[%parallel_loop3A_295, %parallel_loop3A_296] {strides = array<i32>} : memref<64x128xf32, #tpu.memory_space<vmem>>, vector<1x16xf32>,
      %parallel_loop3A_298 = vector.shape_cast %parallel_loop3A_297 : vector<1x16xf32> to vector<16xf32>
      %parallel_loop3A_299 = arith.constant 4 : i32
      %parallel_loop3A_300 = arith.muli %parallel_loop3A_128, %parallel_loop3A_299 : i32
      %parallel_loop3A_301 = arith.constant 0 : i32
      %parallel_loop3A_302 = arith.addi %parallel_loop3A_301, %parallel_loop3A_300 : i32
      %parallel_loop3A_303 = arith.constant 0 : i32
      %parallel_loop3A_304 = arith.addi %parallel_loop3A_302, %parallel_loop3A_303 : i32
      %parallel_loop3A_305 = arith.index_cast %parallel_loop3A_304 : i32 to index
      %parallel_loop3A_306 = arith.constant 32 : index
      %parallel_loop3A_307 = tpu.vector_load %arg7[%parallel_loop3A_305, %parallel_loop3A_306] {strides = array<i32>} : memref<256x128xf32, #tpu.memory_space<vmem>>, vector<1x16xf32>,
      %parallel_loop3A_308 = vector.shape_cast %parallel_loop3A_307 : vector<1x16xf32> to vector<16xf32>
      %parallel_loop3A_309 = arith.constant 11.3137083 : f32
      %parallel_loop3A_310 = vector.broadcast %parallel_loop3A_309 : f32 to vector<16xf32>
      %parallel_loop3A_311 = arith.mulf %parallel_loop3A_308, %parallel_loop3A_310 : vector<16xf32>
      %parallel_loop3A_312 = arith.addf %parallel_loop3A_311, %parallel_loop3A_298 : vector<16xf32>
      %parallel_loop3A_313 = arith.index_cast %parallel_loop3A_304 : i32 to index
      %parallel_loop3A_314 = arith.constant 32 : index
      %parallel_loop3A_315 = tpu.vector_load %arg7[%parallel_loop3A_313, %parallel_loop3A_314] {strides = array<i32>} : memref<256x128xf32, #tpu.memory_space<vmem>>, vector<1x16xf32>,
      %parallel_loop3A_316 = vector.shape_cast %parallel_loop3A_315 : vector<1x16xf32> to vector<16xf32>
      %parallel_loop3A_317 = vector.shape_cast %parallel_loop3A_312 : vector<16xf32> to vector<1x16xf32>
      tpu.vector_store %arg7[%parallel_loop3A_313, %parallel_loop3A_314], %parallel_loop3A_317 {strides = array<i32>} : memref<256x128xf32, #tpu.memory_space<vmem>>, vector<1x16xf32>,
      %parallel_loop3A_318 = arith.constant 4 : i32
      %parallel_loop3A_319 = arith.muli %parallel_loop3A_128, %parallel_loop3A_318 : i32
      %parallel_loop3A_320 = arith.constant 0 : i32
      %parallel_loop3A_321 = arith.addi %parallel_loop3A_320, %parallel_loop3A_319 : i32
      %parallel_loop3A_322 = arith.constant 1 : i32
      %parallel_loop3A_323 = arith.addi %parallel_loop3A_321, %parallel_loop3A_322 : i32
      %parallel_loop3A_324 = arith.index_cast %parallel_loop3A_323 : i32 to index
      %parallel_loop3A_325 = arith.constant 32 : index
      %parallel_loop3A_326 = tpu.vector_load %arg7[%parallel_loop3A_324, %parallel_loop3A_325] {strides = array<i32>} : memref<256x128xf32, #tpu.memory_space<vmem>>, vector<1x16xf32>,
      %parallel_loop3A_327 = vector.shape_cast %parallel_loop3A_326 : vector<1x16xf32> to vector<16xf32>
      %parallel_loop3A_328 = arith.constant 11.3137083 : f32
      %parallel_loop3A_329 = vector.broadcast %parallel_loop3A_328 : f32 to vector<16xf32>
      %parallel_loop3A_330 = arith.mulf %parallel_loop3A_327, %parallel_loop3A_329 : vector<16xf32>
      %parallel_loop3A_331 = arith.addf %parallel_loop3A_330, %parallel_loop3A_298 : vector<16xf32>
      %parallel_loop3A_332 = arith.index_cast %parallel_loop3A_323 : i32 to index
      %parallel_loop3A_333 = arith.constant 32 : index
      %parallel_loop3A_334 = tpu.vector_load %arg7[%parallel_loop3A_332, %parallel_loop3A_333] {strides = array<i32>} : memref<256x128xf32, #tpu.memory_space<vmem>>, vector<1x16xf32>,
      %parallel_loop3A_335 = vector.shape_cast %parallel_loop3A_334 : vector<1x16xf32> to vector<16xf32>
      %parallel_loop3A_336 = vector.shape_cast %parallel_loop3A_331 : vector<16xf32> to vector<1x16xf32>
      tpu.vector_store %arg7[%parallel_loop3A_332, %parallel_loop3A_333], %parallel_loop3A_336 {strides = array<i32>} : memref<256x128xf32, #tpu.memory_space<vmem>>, vector<1x16xf32>,
      %parallel_loop3A_337 = arith.constant 4 : i32
      %parallel_loop3A_338 = arith.muli %parallel_loop3A_128, %parallel_loop3A_337 : i32
      %parallel_loop3A_339 = arith.constant 0 : i32
      %parallel_loop3A_340 = arith.addi %parallel_loop3A_339, %parallel_loop3A_338 : i32
      %parallel_loop3A_341 = arith.constant 2 : i32
      %parallel_loop3A_342 = arith.addi %parallel_loop3A_340, %parallel_loop3A_341 : i32
      %parallel_loop3A_343 = arith.index_cast %parallel_loop3A_342 : i32 to index
      %parallel_loop3A_344 = arith.constant 32 : index
      %parallel_loop3A_345 = tpu.vector_load %arg7[%parallel_loop3A_343, %parallel_loop3A_344] {strides = array<i32>} : memref<256x128xf32, #tpu.memory_space<vmem>>, vector<1x16xf32>,
      %parallel_loop3A_346 = vector.shape_cast %parallel_loop3A_345 : vector<1x16xf32> to vector<16xf32>
      %parallel_loop3A_347 = arith.constant 11.3137083 : f32
      %parallel_loop3A_348 = vector.broadcast %parallel_loop3A_347 : f32 to vector<16xf32>
      %parallel_loop3A_349 = arith.mulf %parallel_loop3A_346, %parallel_loop3A_348 : vector<16xf32>
      %parallel_loop3A_350 = arith.addf %parallel_loop3A_349, %parallel_loop3A_298 : vector<16xf32>
      %parallel_loop3A_351 = arith.index_cast %parallel_loop3A_342 : i32 to index
      %parallel_loop3A_352 = arith.constant 32 : index
      %parallel_loop3A_353 = tpu.vector_load %arg7[%parallel_loop3A_351, %parallel_loop3A_352] {strides = array<i32>} : memref<256x128xf32, #tpu.memory_space<vmem>>, vector<1x16xf32>,
      %parallel_loop3A_354 = vector.shape_cast %parallel_loop3A_353 : vector<1x16xf32> to vector<16xf32>
      %parallel_loop3A_355 = vector.shape_cast %parallel_loop3A_350 : vector<16xf32> to vector<1x16xf32>
      tpu.vector_store %arg7[%parallel_loop3A_351, %parallel_loop3A_352], %parallel_loop3A_355 {strides = array<i32>} : memref<256x128xf32, #tpu.memory_space<vmem>>, vector<1x16xf32>,
      %parallel_loop3A_356 = arith.constant 4 : i32
      %parallel_loop3A_357 = arith.muli %parallel_loop3A_128, %parallel_loop3A_356 : i32
      %parallel_loop3A_358 = arith.constant 0 : i32
      %parallel_loop3A_359 = arith.addi %parallel_loop3A_358, %parallel_loop3A_357 : i32
      %parallel_loop3A_360 = arith.constant 3 : i32
      %parallel_loop3A_361 = arith.addi %parallel_loop3A_359, %parallel_loop3A_360 : i32
      %parallel_loop3A_362 = arith.index_cast %parallel_loop3A_361 : i32 to index
      %parallel_loop3A_363 = arith.constant 32 : index
      %parallel_loop3A_364 = tpu.vector_load %arg7[%parallel_loop3A_362, %parallel_loop3A_363] {strides = array<i32>} : memref<256x128xf32, #tpu.memory_space<vmem>>, vector<1x16xf32>,
      %parallel_loop3A_365 = vector.shape_cast %parallel_loop3A_364 : vector<1x16xf32> to vector<16xf32>
      %parallel_loop3A_366 = arith.constant 11.3137083 : f32
      %parallel_loop3A_367 = vector.broadcast %parallel_loop3A_366 : f32 to vector<16xf32>
      %parallel_loop3A_368 = arith.mulf %parallel_loop3A_365, %parallel_loop3A_367 : vector<16xf32>
      %parallel_loop3A_369 = arith.addf %parallel_loop3A_368, %parallel_loop3A_298 : vector<16xf32>
      %parallel_loop3A_370 = arith.index_cast %parallel_loop3A_361 : i32 to index
      %parallel_loop3A_371 = arith.constant 32 : index
      %parallel_loop3A_372 = tpu.vector_load %arg7[%parallel_loop3A_370, %parallel_loop3A_371] {strides = array<i32>} : memref<256x128xf32, #tpu.memory_space<vmem>>, vector<1x16xf32>,
      %parallel_loop3A_373 = vector.shape_cast %parallel_loop3A_372 : vector<1x16xf32> to vector<16xf32>
      %parallel_loop3A_374 = vector.shape_cast %parallel_loop3A_369 : vector<16xf32> to vector<1x16xf32>
      tpu.vector_store %arg7[%parallel_loop3A_370, %parallel_loop3A_371], %parallel_loop3A_374 {strides = array<i32>} : memref<256x128xf32, #tpu.memory_space<vmem>>, vector<1x16xf32>,
      %parallel_loop3A_375 = arith.constant 0 : i32
      %parallel_loop3A_376 = arith.addi %parallel_loop3A_375, %parallel_loop3A_128 : i32
      %parallel_loop3A_377 = arith.index_cast %parallel_loop3A_376 : i32 to index
      %parallel_loop3A_378 = arith.constant 48 : index
      %parallel_loop3A_379 = tpu.vector_load %arg8[%parallel_loop3A_377, %parallel_loop3A_378] {strides = array<i32>} : memref<64x128xf32, #tpu.memory_space<vmem>>, vector<1x16xf32>,
      %parallel_loop3A_380 = vector.shape_cast %parallel_loop3A_379 : vector<1x16xf32> to vector<16xf32>
      %parallel_loop3A_381 = arith.constant 4 : i32
      %parallel_loop3A_382 = arith.muli %parallel_loop3A_128, %parallel_loop3A_381 : i32
      %parallel_loop3A_383 = arith.constant 0 : i32
      %parallel_loop3A_384 = arith.addi %parallel_loop3A_383, %parallel_loop3A_382 : i32
      %parallel_loop3A_385 = arith.constant 0 : i32
      %parallel_loop3A_386 = arith.addi %parallel_loop3A_384, %parallel_loop3A_385 : i32
      %parallel_loop3A_387 = arith.index_cast %parallel_loop3A_386 : i32 to index
      %parallel_loop3A_388 = arith.constant 48 : index
      %parallel_loop3A_389 = tpu.vector_load %arg7[%parallel_loop3A_387, %parallel_loop3A_388] {strides = array<i32>} : memref<256x128xf32, #tpu.memory_space<vmem>>, vector<1x16xf32>,
      %parallel_loop3A_390 = vector.shape_cast %parallel_loop3A_389 : vector<1x16xf32> to vector<16xf32>
      %parallel_loop3A_391 = arith.constant 11.3137083 : f32
      %parallel_loop3A_392 = vector.broadcast %parallel_loop3A_391 : f32 to vector<16xf32>
      %parallel_loop3A_393 = arith.mulf %parallel_loop3A_390, %parallel_loop3A_392 : vector<16xf32>
      %parallel_loop3A_394 = arith.addf %parallel_loop3A_393, %parallel_loop3A_380 : vector<16xf32>
      %parallel_loop3A_395 = arith.index_cast %parallel_loop3A_386 : i32 to index
      %parallel_loop3A_396 = arith.constant 48 : index
      %parallel_loop3A_397 = tpu.vector_load %arg7[%parallel_loop3A_395, %parallel_loop3A_396] {strides = array<i32>} : memref<256x128xf32, #tpu.memory_space<vmem>>, vector<1x16xf32>,
      %parallel_loop3A_398 = vector.shape_cast %parallel_loop3A_397 : vector<1x16xf32> to vector<16xf32>
      %parallel_loop3A_399 = vector.shape_cast %parallel_loop3A_394 : vector<16xf32> to vector<1x16xf32>
      tpu.vector_store %arg7[%parallel_loop3A_395, %parallel_loop3A_396], %parallel_loop3A_399 {strides = array<i32>} : memref<256x128xf32, #tpu.memory_space<vmem>>, vector<1x16xf32>,
      %parallel_loop3A_400 = arith.constant 4 : i32
      %parallel_loop3A_401 = arith.muli %parallel_loop3A_128, %parallel_loop3A_400 : i32
      %parallel_loop3A_402 = arith.constant 0 : i32
      %parallel_loop3A_403 = arith.addi %parallel_loop3A_402, %parallel_loop3A_401 : i32
      %parallel_loop3A_404 = arith.constant 1 : i32
      %parallel_loop3A_405 = arith.addi %parallel_loop3A_403, %parallel_loop3A_404 : i32
      %parallel_loop3A_406 = arith.index_cast %parallel_loop3A_405 : i32 to index
      %parallel_loop3A_407 = arith.constant 48 : index
      %parallel_loop3A_408 = tpu.vector_load %arg7[%parallel_loop3A_406, %parallel_loop3A_407] {strides = array<i32>} : memref<256x128xf32, #tpu.memory_space<vmem>>, vector<1x16xf32>,
      %parallel_loop3A_409 = vector.shape_cast %parallel_loop3A_408 : vector<1x16xf32> to vector<16xf32>
      %parallel_loop3A_410 = arith.constant 11.3137083 : f32
      %parallel_loop3A_411 = vector.broadcast %parallel_loop3A_410 : f32 to vector<16xf32>
      %parallel_loop3A_412 = arith.mulf %parallel_loop3A_409, %parallel_loop3A_411 : vector<16xf32>
      %parallel_loop3A_413 = arith.addf %parallel_loop3A_412, %parallel_loop3A_380 : vector<16xf32>
      %parallel_loop3A_414 = arith.index_cast %parallel_loop3A_405 : i32 to index
      %parallel_loop3A_415 = arith.constant 48 : index
      %parallel_loop3A_416 = tpu.vector_load %arg7[%parallel_loop3A_414, %parallel_loop3A_415] {strides = array<i32>} : memref<256x128xf32, #tpu.memory_space<vmem>>, vector<1x16xf32>,
      %parallel_loop3A_417 = vector.shape_cast %parallel_loop3A_416 : vector<1x16xf32> to vector<16xf32>
      %parallel_loop3A_418 = vector.shape_cast %parallel_loop3A_413 : vector<16xf32> to vector<1x16xf32>
      tpu.vector_store %arg7[%parallel_loop3A_414, %parallel_loop3A_415], %parallel_loop3A_418 {strides = array<i32>} : memref<256x128xf32, #tpu.memory_space<vmem>>, vector<1x16xf32>,
      %parallel_loop3A_419 = arith.constant 4 : i32
      %parallel_loop3A_420 = arith.muli %parallel_loop3A_128, %parallel_loop3A_419 : i32
      %parallel_loop3A_421 = arith.constant 0 : i32
      %parallel_loop3A_422 = arith.addi %parallel_loop3A_421, %parallel_loop3A_420 : i32
      %parallel_loop3A_423 = arith.constant 2 : i32
      %parallel_loop3A_424 = arith.addi %parallel_loop3A_422, %parallel_loop3A_423 : i32
      %parallel_loop3A_425 = arith.index_cast %parallel_loop3A_424 : i32 to index
      %parallel_loop3A_426 = arith.constant 48 : index
      %parallel_loop3A_427 = tpu.vector_load %arg7[%parallel_loop3A_425, %parallel_loop3A_426] {strides = array<i32>} : memref<256x128xf32, #tpu.memory_space<vmem>>, vector<1x16xf32>,
      %parallel_loop3A_428 = vector.shape_cast %parallel_loop3A_427 : vector<1x16xf32> to vector<16xf32>
      %parallel_loop3A_429 = arith.constant 11.3137083 : f32
      %parallel_loop3A_430 = vector.broadcast %parallel_loop3A_429 : f32 to vector<16xf32>
      %parallel_loop3A_431 = arith.mulf %parallel_loop3A_428, %parallel_loop3A_430 : vector<16xf32>
      %parallel_loop3A_432 = arith.addf %parallel_loop3A_431, %parallel_loop3A_380 : vector<16xf32>
      %parallel_loop3A_433 = arith.index_cast %parallel_loop3A_424 : i32 to index
      %parallel_loop3A_434 = arith.constant 48 : index
      %parallel_loop3A_435 = tpu.vector_load %arg7[%parallel_loop3A_433, %parallel_loop3A_434] {strides = array<i32>} : memref<256x128xf32, #tpu.memory_space<vmem>>, vector<1x16xf32>,
      %parallel_loop3A_436 = vector.shape_cast %parallel_loop3A_435 : vector<1x16xf32> to vector<16xf32>
      %parallel_loop3A_437 = vector.shape_cast %parallel_loop3A_432 : vector<16xf32> to vector<1x16xf32>
      tpu.vector_store %arg7[%parallel_loop3A_433, %parallel_loop3A_434], %parallel_loop3A_437 {strides = array<i32>} : memref<256x128xf32, #tpu.memory_space<vmem>>, vector<1x16xf32>,
      %parallel_loop3A_438 = arith.constant 4 : i32
      %parallel_loop3A_439 = arith.muli %parallel_loop3A_128, %parallel_loop3A_438 : i32
      %parallel_loop3A_440 = arith.constant 0 : i32
      %parallel_loop3A_441 = arith.addi %parallel_loop3A_440, %parallel_loop3A_439 : i32
      %parallel_loop3A_442 = arith.constant 3 : i32
      %parallel_loop3A_443 = arith.addi %parallel_loop3A_441, %parallel_loop3A_442 : i32
      %parallel_loop3A_444 = arith.index_cast %parallel_loop3A_443 : i32 to index
      %parallel_loop3A_445 = arith.constant 48 : index
      %parallel_loop3A_446 = tpu.vector_load %arg7[%parallel_loop3A_444, %parallel_loop3A_445] {strides = array<i32>} : memref<256x128xf32, #tpu.memory_space<vmem>>, vector<1x16xf32>,
      %parallel_loop3A_447 = vector.shape_cast %parallel_loop3A_446 : vector<1x16xf32> to vector<16xf32>
      %parallel_loop3A_448 = arith.constant 11.3137083 : f32
      %parallel_loop3A_449 = vector.broadcast %parallel_loop3A_448 : f32 to vector<16xf32>
      %parallel_loop3A_450 = arith.mulf %parallel_loop3A_447, %parallel_loop3A_449 : vector<16xf32>
      %parallel_loop3A_451 = arith.addf %parallel_loop3A_450, %parallel_loop3A_380 : vector<16xf32>
      %parallel_loop3A_452 = arith.index_cast %parallel_loop3A_443 : i32 to index
      %parallel_loop3A_453 = arith.constant 48 : index
      %parallel_loop3A_454 = tpu.vector_load %arg7[%parallel_loop3A_452, %parallel_loop3A_453] {strides = array<i32>} : memref<256x128xf32, #tpu.memory_space<vmem>>, vector<1x16xf32>,
      %parallel_loop3A_455 = vector.shape_cast %parallel_loop3A_454 : vector<1x16xf32> to vector<16xf32>
      %parallel_loop3A_456 = vector.shape_cast %parallel_loop3A_451 : vector<16xf32> to vector<1x16xf32>
      tpu.vector_store %arg7[%parallel_loop3A_452, %parallel_loop3A_453], %parallel_loop3A_456 {strides = array<i32>} : memref<256x128xf32, #tpu.memory_space<vmem>>, vector<1x16xf32>,
      %parallel_loop3A_457 = arith.constant 0 : i32
      %parallel_loop3A_458 = arith.addi %parallel_loop3A_457, %parallel_loop3A_128 : i32
      %parallel_loop3A_459 = arith.index_cast %parallel_loop3A_458 : i32 to index
      %parallel_loop3A_460 = arith.constant 64 : index
      %parallel_loop3A_461 = tpu.vector_load %arg8[%parallel_loop3A_459, %parallel_loop3A_460] {strides = array<i32>} : memref<64x128xf32, #tpu.memory_space<vmem>>, vector<1x16xf32>,
      %parallel_loop3A_462 = vector.shape_cast %parallel_loop3A_461 : vector<1x16xf32> to vector<16xf32>
      %parallel_loop3A_463 = arith.constant 4 : i32
      %parallel_loop3A_464 = arith.muli %parallel_loop3A_128, %parallel_loop3A_463 : i32
      %parallel_loop3A_465 = arith.constant 0 : i32
      %parallel_loop3A_466 = arith.addi %parallel_loop3A_465, %parallel_loop3A_464 : i32
      %parallel_loop3A_467 = arith.constant 0 : i32
      %parallel_loop3A_468 = arith.addi %parallel_loop3A_466, %parallel_loop3A_467 : i32
      %parallel_loop3A_469 = arith.index_cast %parallel_loop3A_468 : i32 to index
      %parallel_loop3A_470 = arith.constant 64 : index
      %parallel_loop3A_471 = tpu.vector_load %arg7[%parallel_loop3A_469, %parallel_loop3A_470] {strides = array<i32>} : memref<256x128xf32, #tpu.memory_space<vmem>>, vector<1x16xf32>,
      %parallel_loop3A_472 = vector.shape_cast %parallel_loop3A_471 : vector<1x16xf32> to vector<16xf32>
      %parallel_loop3A_473 = arith.constant 11.3137083 : f32
      %parallel_loop3A_474 = vector.broadcast %parallel_loop3A_473 : f32 to vector<16xf32>
      %parallel_loop3A_475 = arith.mulf %parallel_loop3A_472, %parallel_loop3A_474 : vector<16xf32>
      %parallel_loop3A_476 = arith.addf %parallel_loop3A_475, %parallel_loop3A_462 : vector<16xf32>
      %parallel_loop3A_477 = arith.index_cast %parallel_loop3A_468 : i32 to index
      %parallel_loop3A_478 = arith.constant 64 : index
      %parallel_loop3A_479 = tpu.vector_load %arg7[%parallel_loop3A_477, %parallel_loop3A_478] {strides = array<i32>} : memref<256x128xf32, #tpu.memory_space<vmem>>, vector<1x16xf32>,
      %parallel_loop3A_480 = vector.shape_cast %parallel_loop3A_479 : vector<1x16xf32> to vector<16xf32>
      %parallel_loop3A_481 = vector.shape_cast %parallel_loop3A_476 : vector<16xf32> to vector<1x16xf32>
      tpu.vector_store %arg7[%parallel_loop3A_477, %parallel_loop3A_478], %parallel_loop3A_481 {strides = array<i32>} : memref<256x128xf32, #tpu.memory_space<vmem>>, vector<1x16xf32>,
      %parallel_loop3A_482 = arith.constant 4 : i32
      %parallel_loop3A_483 = arith.muli %parallel_loop3A_128, %parallel_loop3A_482 : i32
      %parallel_loop3A_484 = arith.constant 0 : i32
      %parallel_loop3A_485 = arith.addi %parallel_loop3A_484, %parallel_loop3A_483 : i32
      %parallel_loop3A_486 = arith.constant 1 : i32
      %parallel_loop3A_487 = arith.addi %parallel_loop3A_485, %parallel_loop3A_486 : i32
      %parallel_loop3A_488 = arith.index_cast %parallel_loop3A_487 : i32 to index
      %parallel_loop3A_489 = arith.constant 64 : index
      %parallel_loop3A_490 = tpu.vector_load %arg7[%parallel_loop3A_488, %parallel_loop3A_489] {strides = array<i32>} : memref<256x128xf32, #tpu.memory_space<vmem>>, vector<1x16xf32>,
      %parallel_loop3A_491 = vector.shape_cast %parallel_loop3A_490 : vector<1x16xf32> to vector<16xf32>
      %parallel_loop3A_492 = arith.constant 11.3137083 : f32
      %parallel_loop3A_493 = vector.broadcast %parallel_loop3A_492 : f32 to vector<16xf32>
      %parallel_loop3A_494 = arith.mulf %parallel_loop3A_491, %parallel_loop3A_493 : vector<16xf32>
      %parallel_loop3A_495 = arith.addf %parallel_loop3A_494, %parallel_loop3A_462 : vector<16xf32>
      %parallel_loop3A_496 = arith.index_cast %parallel_loop3A_487 : i32 to index
      %parallel_loop3A_497 = arith.constant 64 : index
      %parallel_loop3A_498 = tpu.vector_load %arg7[%parallel_loop3A_496, %parallel_loop3A_497] {strides = array<i32>} : memref<256x128xf32, #tpu.memory_space<vmem>>, vector<1x16xf32>,
      %parallel_loop3A_499 = vector.shape_cast %parallel_loop3A_498 : vector<1x16xf32> to vector<16xf32>
      %parallel_loop3A_500 = vector.shape_cast %parallel_loop3A_495 : vector<16xf32> to vector<1x16xf32>
      tpu.vector_store %arg7[%parallel_loop3A_496, %parallel_loop3A_497], %parallel_loop3A_500 {strides = array<i32>} : memref<256x128xf32, #tpu.memory_space<vmem>>, vector<1x16xf32>,
      %parallel_loop3A_501 = arith.constant 4 : i32
      %parallel_loop3A_502 = arith.muli %parallel_loop3A_128, %parallel_loop3A_501 : i32
      %parallel_loop3A_503 = arith.constant 0 : i32
      %parallel_loop3A_504 = arith.addi %parallel_loop3A_503, %parallel_loop3A_502 : i32
      %parallel_loop3A_505 = arith.constant 2 : i32
      %parallel_loop3A_506 = arith.addi %parallel_loop3A_504, %parallel_loop3A_505 : i32
      %parallel_loop3A_507 = arith.index_cast %parallel_loop3A_506 : i32 to index
      %parallel_loop3A_508 = arith.constant 64 : index
      %parallel_loop3A_509 = tpu.vector_load %arg7[%parallel_loop3A_507, %parallel_loop3A_508] {strides = array<i32>} : memref<256x128xf32, #tpu.memory_space<vmem>>, vector<1x16xf32>,
      %parallel_loop3A_510 = vector.shape_cast %parallel_loop3A_509 : vector<1x16xf32> to vector<16xf32>
      %parallel_loop3A_511 = arith.constant 11.3137083 : f32
      %parallel_loop3A_512 = vector.broadcast %parallel_loop3A_511 : f32 to vector<16xf32>
      %parallel_loop3A_513 = arith.mulf %parallel_loop3A_510, %parallel_loop3A_512 : vector<16xf32>
      %parallel_loop3A_514 = arith.addf %parallel_loop3A_513, %parallel_loop3A_462 : vector<16xf32>
      %parallel_loop3A_515 = arith.index_cast %parallel_loop3A_506 : i32 to index
      %parallel_loop3A_516 = arith.constant 64 : index
      %parallel_loop3A_517 = tpu.vector_load %arg7[%parallel_loop3A_515, %parallel_loop3A_516] {strides = array<i32>} : memref<256x128xf32, #tpu.memory_space<vmem>>, vector<1x16xf32>,
      %parallel_loop3A_518 = vector.shape_cast %parallel_loop3A_517 : vector<1x16xf32> to vector<16xf32>
      %parallel_loop3A_519 = vector.shape_cast %parallel_loop3A_514 : vector<16xf32> to vector<1x16xf32>
      tpu.vector_store %arg7[%parallel_loop3A_515, %parallel_loop3A_516], %parallel_loop3A_519 {strides = array<i32>} : memref<256x128xf32, #tpu.memory_space<vmem>>, vector<1x16xf32>,
      %parallel_loop3A_520 = arith.constant 4 : i32
      %parallel_loop3A_521 = arith.muli %parallel_loop3A_128, %parallel_loop3A_520 : i32
      %parallel_loop3A_522 = arith.constant 0 : i32
      %parallel_loop3A_523 = arith.addi %parallel_loop3A_522, %parallel_loop3A_521 : i32
      %parallel_loop3A_524 = arith.constant 3 : i32
      %parallel_loop3A_525 = arith.addi %parallel_loop3A_523, %parallel_loop3A_524 : i32
      %parallel_loop3A_526 = arith.index_cast %parallel_loop3A_525 : i32 to index
      %parallel_loop3A_527 = arith.constant 64 : index
      %parallel_loop3A_528 = tpu.vector_load %arg7[%parallel_loop3A_526, %parallel_loop3A_527] {strides = array<i32>} : memref<256x128xf32, #tpu.memory_space<vmem>>, vector<1x16xf32>,
      %parallel_loop3A_529 = vector.shape_cast %parallel_loop3A_528 : vector<1x16xf32> to vector<16xf32>
      %parallel_loop3A_530 = arith.constant 11.3137083 : f32
      %parallel_loop3A_531 = vector.broadcast %parallel_loop3A_530 : f32 to vector<16xf32>
      %parallel_loop3A_532 = arith.mulf %parallel_loop3A_529, %parallel_loop3A_531 : vector<16xf32>
      %parallel_loop3A_533 = arith.addf %parallel_loop3A_532, %parallel_loop3A_462 : vector<16xf32>
      %parallel_loop3A_534 = arith.index_cast %parallel_loop3A_525 : i32 to index
      %parallel_loop3A_535 = arith.constant 64 : index
      %parallel_loop3A_536 = tpu.vector_load %arg7[%parallel_loop3A_534, %parallel_loop3A_535] {strides = array<i32>} : memref<256x128xf32, #tpu.memory_space<vmem>>, vector<1x16xf32>,
      %parallel_loop3A_537 = vector.shape_cast %parallel_loop3A_536 : vector<1x16xf32> to vector<16xf32>
      %parallel_loop3A_538 = vector.shape_cast %parallel_loop3A_533 : vector<16xf32> to vector<1x16xf32>
      tpu.vector_store %arg7[%parallel_loop3A_534, %parallel_loop3A_535], %parallel_loop3A_538 {strides = array<i32>} : memref<256x128xf32, #tpu.memory_space<vmem>>, vector<1x16xf32>,
      %parallel_loop3A_539 = arith.constant 0 : i32
      %parallel_loop3A_540 = arith.addi %parallel_loop3A_539, %parallel_loop3A_128 : i32
      %parallel_loop3A_541 = arith.index_cast %parallel_loop3A_540 : i32 to index
      %parallel_loop3A_542 = arith.constant 80 : index
      %parallel_loop3A_543 = tpu.vector_load %arg8[%parallel_loop3A_541, %parallel_loop3A_542] {strides = array<i32>} : memref<64x128xf32, #tpu.memory_space<vmem>>, vector<1x16xf32>,
      %parallel_loop3A_544 = vector.shape_cast %parallel_loop3A_543 : vector<1x16xf32> to vector<16xf32>
      %parallel_loop3A_545 = arith.constant 4 : i32
      %parallel_loop3A_546 = arith.muli %parallel_loop3A_128, %parallel_loop3A_545 : i32
      %parallel_loop3A_547 = arith.constant 0 : i32
      %parallel_loop3A_548 = arith.addi %parallel_loop3A_547, %parallel_loop3A_546 : i32
      %parallel_loop3A_549 = arith.constant 0 : i32
      %parallel_loop3A_550 = arith.addi %parallel_loop3A_548, %parallel_loop3A_549 : i32
      %parallel_loop3A_551 = arith.index_cast %parallel_loop3A_550 : i32 to index
      %parallel_loop3A_552 = arith.constant 80 : index
      %parallel_loop3A_553 = tpu.vector_load %arg7[%parallel_loop3A_551, %parallel_loop3A_552] {strides = array<i32>} : memref<256x128xf32, #tpu.memory_space<vmem>>, vector<1x16xf32>,
      %parallel_loop3A_554 = vector.shape_cast %parallel_loop3A_553 : vector<1x16xf32> to vector<16xf32>
      %parallel_loop3A_555 = arith.constant 11.3137083 : f32
      %parallel_loop3A_556 = vector.broadcast %parallel_loop3A_555 : f32 to vector<16xf32>
      %parallel_loop3A_557 = arith.mulf %parallel_loop3A_554, %parallel_loop3A_556 : vector<16xf32>
      %parallel_loop3A_558 = arith.addf %parallel_loop3A_557, %parallel_loop3A_544 : vector<16xf32>
      %parallel_loop3A_559 = arith.index_cast %parallel_loop3A_550 : i32 to index
      %parallel_loop3A_560 = arith.constant 80 : index
      %parallel_loop3A_561 = tpu.vector_load %arg7[%parallel_loop3A_559, %parallel_loop3A_560] {strides = array<i32>} : memref<256x128xf32, #tpu.memory_space<vmem>>, vector<1x16xf32>,
      %parallel_loop3A_562 = vector.shape_cast %parallel_loop3A_561 : vector<1x16xf32> to vector<16xf32>
      %parallel_loop3A_563 = vector.shape_cast %parallel_loop3A_558 : vector<16xf32> to vector<1x16xf32>
      tpu.vector_store %arg7[%parallel_loop3A_559, %parallel_loop3A_560], %parallel_loop3A_563 {strides = array<i32>} : memref<256x128xf32, #tpu.memory_space<vmem>>, vector<1x16xf32>,
      %parallel_loop3A_564 = arith.constant 4 : i32
      %parallel_loop3A_565 = arith.muli %parallel_loop3A_128, %parallel_loop3A_564 : i32
      %parallel_loop3A_566 = arith.constant 0 : i32
      %parallel_loop3A_567 = arith.addi %parallel_loop3A_566, %parallel_loop3A_565 : i32
      %parallel_loop3A_568 = arith.constant 1 : i32
      %parallel_loop3A_569 = arith.addi %parallel_loop3A_567, %parallel_loop3A_568 : i32
      %parallel_loop3A_570 = arith.index_cast %parallel_loop3A_569 : i32 to index
      %parallel_loop3A_571 = arith.constant 80 : index
      %parallel_loop3A_572 = tpu.vector_load %arg7[%parallel_loop3A_570, %parallel_loop3A_571] {strides = array<i32>} : memref<256x128xf32, #tpu.memory_space<vmem>>, vector<1x16xf32>,
      %parallel_loop3A_573 = vector.shape_cast %parallel_loop3A_572 : vector<1x16xf32> to vector<16xf32>
      %parallel_loop3A_574 = arith.constant 11.3137083 : f32
      %parallel_loop3A_575 = vector.broadcast %parallel_loop3A_574 : f32 to vector<16xf32>
      %parallel_loop3A_576 = arith.mulf %parallel_loop3A_573, %parallel_loop3A_575 : vector<16xf32>
      %parallel_loop3A_577 = arith.addf %parallel_loop3A_576, %parallel_loop3A_544 : vector<16xf32>
      %parallel_loop3A_578 = arith.index_cast %parallel_loop3A_569 : i32 to index
      %parallel_loop3A_579 = arith.constant 80 : index
      %parallel_loop3A_580 = tpu.vector_load %arg7[%parallel_loop3A_578, %parallel_loop3A_579] {strides = array<i32>} : memref<256x128xf32, #tpu.memory_space<vmem>>, vector<1x16xf32>,
      %parallel_loop3A_581 = vector.shape_cast %parallel_loop3A_580 : vector<1x16xf32> to vector<16xf32>
      %parallel_loop3A_582 = vector.shape_cast %parallel_loop3A_577 : vector<16xf32> to vector<1x16xf32>
      tpu.vector_store %arg7[%parallel_loop3A_578, %parallel_loop3A_579], %parallel_loop3A_582 {strides = array<i32>} : memref<256x128xf32, #tpu.memory_space<vmem>>, vector<1x16xf32>,
      %parallel_loop3A_583 = arith.constant 4 : i32
      %parallel_loop3A_584 = arith.muli %parallel_loop3A_128, %parallel_loop3A_583 : i32
      %parallel_loop3A_585 = arith.constant 0 : i32
      %parallel_loop3A_586 = arith.addi %parallel_loop3A_585, %parallel_loop3A_584 : i32
      %parallel_loop3A_587 = arith.constant 2 : i32
      %parallel_loop3A_588 = arith.addi %parallel_loop3A_586, %parallel_loop3A_587 : i32
      %parallel_loop3A_589 = arith.index_cast %parallel_loop3A_588 : i32 to index
      %parallel_loop3A_590 = arith.constant 80 : index
      %parallel_loop3A_591 = tpu.vector_load %arg7[%parallel_loop3A_589, %parallel_loop3A_590] {strides = array<i32>} : memref<256x128xf32, #tpu.memory_space<vmem>>, vector<1x16xf32>,
      %parallel_loop3A_592 = vector.shape_cast %parallel_loop3A_591 : vector<1x16xf32> to vector<16xf32>
      %parallel_loop3A_593 = arith.constant 11.3137083 : f32
      %parallel_loop3A_594 = vector.broadcast %parallel_loop3A_593 : f32 to vector<16xf32>
      %parallel_loop3A_595 = arith.mulf %parallel_loop3A_592, %parallel_loop3A_594 : vector<16xf32>
      %parallel_loop3A_596 = arith.addf %parallel_loop3A_595, %parallel_loop3A_544 : vector<16xf32>
      %parallel_loop3A_597 = arith.index_cast %parallel_loop3A_588 : i32 to index
      %parallel_loop3A_598 = arith.constant 80 : index
      %parallel_loop3A_599 = tpu.vector_load %arg7[%parallel_loop3A_597, %parallel_loop3A_598] {strides = array<i32>} : memref<256x128xf32, #tpu.memory_space<vmem>>, vector<1x16xf32>,
      %parallel_loop3A_600 = vector.shape_cast %parallel_loop3A_599 : vector<1x16xf32> to vector<16xf32>
      %parallel_loop3A_601 = vector.shape_cast %parallel_loop3A_596 : vector<16xf32> to vector<1x16xf32>
      tpu.vector_store %arg7[%parallel_loop3A_597, %parallel_loop3A_598], %parallel_loop3A_601 {strides = array<i32>} : memref<256x128xf32, #tpu.memory_space<vmem>>, vector<1x16xf32>,
      %parallel_loop3A_602 = arith.constant 4 : i32
      %parallel_loop3A_603 = arith.muli %parallel_loop3A_128, %parallel_loop3A_602 : i32
      %parallel_loop3A_604 = arith.constant 0 : i32
      %parallel_loop3A_605 = arith.addi %parallel_loop3A_604, %parallel_loop3A_603 : i32
      %parallel_loop3A_606 = arith.constant 3 : i32
      %parallel_loop3A_607 = arith.addi %parallel_loop3A_605, %parallel_loop3A_606 : i32
      %parallel_loop3A_608 = arith.index_cast %parallel_loop3A_607 : i32 to index
      %parallel_loop3A_609 = arith.constant 80 : index
      %parallel_loop3A_610 = tpu.vector_load %arg7[%parallel_loop3A_608, %parallel_loop3A_609] {strides = array<i32>} : memref<256x128xf32, #tpu.memory_space<vmem>>, vector<1x16xf32>,
      %parallel_loop3A_611 = vector.shape_cast %parallel_loop3A_610 : vector<1x16xf32> to vector<16xf32>
      %parallel_loop3A_612 = arith.constant 11.3137083 : f32
      %parallel_loop3A_613 = vector.broadcast %parallel_loop3A_612 : f32 to vector<16xf32>
      %parallel_loop3A_614 = arith.mulf %parallel_loop3A_611, %parallel_loop3A_613 : vector<16xf32>
      %parallel_loop3A_615 = arith.addf %parallel_loop3A_614, %parallel_loop3A_544 : vector<16xf32>
      %parallel_loop3A_616 = arith.index_cast %parallel_loop3A_607 : i32 to index
      %parallel_loop3A_617 = arith.constant 80 : index
      %parallel_loop3A_618 = tpu.vector_load %arg7[%parallel_loop3A_616, %parallel_loop3A_617] {strides = array<i32>} : memref<256x128xf32, #tpu.memory_space<vmem>>, vector<1x16xf32>,
      %parallel_loop3A_619 = vector.shape_cast %parallel_loop3A_618 : vector<1x16xf32> to vector<16xf32>
      %parallel_loop3A_620 = vector.shape_cast %parallel_loop3A_615 : vector<16xf32> to vector<1x16xf32>
      tpu.vector_store %arg7[%parallel_loop3A_616, %parallel_loop3A_617], %parallel_loop3A_620 {strides = array<i32>} : memref<256x128xf32, #tpu.memory_space<vmem>>, vector<1x16xf32>,
      %parallel_loop3A_621 = arith.constant 0 : i32
      %parallel_loop3A_622 = arith.addi %parallel_loop3A_621, %parallel_loop3A_128 : i32
      %parallel_loop3A_623 = arith.index_cast %parallel_loop3A_622 : i32 to index
      %parallel_loop3A_624 = arith.constant 96 : index
      %parallel_loop3A_625 = tpu.vector_load %arg8[%parallel_loop3A_623, %parallel_loop3A_624] {strides = array<i32>} : memref<64x128xf32, #tpu.memory_space<vmem>>, vector<1x16xf32>,
      %parallel_loop3A_626 = vector.shape_cast %parallel_loop3A_625 : vector<1x16xf32> to vector<16xf32>
      %parallel_loop3A_627 = arith.constant 4 : i32
      %parallel_loop3A_628 = arith.muli %parallel_loop3A_128, %parallel_loop3A_627 : i32
      %parallel_loop3A_629 = arith.constant 0 : i32
      %parallel_loop3A_630 = arith.addi %parallel_loop3A_629, %parallel_loop3A_628 : i32
      %parallel_loop3A_631 = arith.constant 0 : i32
      %parallel_loop3A_632 = arith.addi %parallel_loop3A_630, %parallel_loop3A_631 : i32
      %parallel_loop3A_633 = arith.index_cast %parallel_loop3A_632 : i32 to index
      %parallel_loop3A_634 = arith.constant 96 : index
      %parallel_loop3A_635 = tpu.vector_load %arg7[%parallel_loop3A_633, %parallel_loop3A_634] {strides = array<i32>} : memref<256x128xf32, #tpu.memory_space<vmem>>, vector<1x16xf32>,
      %parallel_loop3A_636 = vector.shape_cast %parallel_loop3A_635 : vector<1x16xf32> to vector<16xf32>
      %parallel_loop3A_637 = arith.constant 11.3137083 : f32
      %parallel_loop3A_638 = vector.broadcast %parallel_loop3A_637 : f32 to vector<16xf32>
      %parallel_loop3A_639 = arith.mulf %parallel_loop3A_636, %parallel_loop3A_638 : vector<16xf32>
      %parallel_loop3A_640 = arith.addf %parallel_loop3A_639, %parallel_loop3A_626 : vector<16xf32>
      %parallel_loop3A_641 = arith.index_cast %parallel_loop3A_632 : i32 to index
      %parallel_loop3A_642 = arith.constant 96 : index
      %parallel_loop3A_643 = tpu.vector_load %arg7[%parallel_loop3A_641, %parallel_loop3A_642] {strides = array<i32>} : memref<256x128xf32, #tpu.memory_space<vmem>>, vector<1x16xf32>,
      %parallel_loop3A_644 = vector.shape_cast %parallel_loop3A_643 : vector<1x16xf32> to vector<16xf32>
      %parallel_loop3A_645 = vector.shape_cast %parallel_loop3A_640 : vector<16xf32> to vector<1x16xf32>
      tpu.vector_store %arg7[%parallel_loop3A_641, %parallel_loop3A_642], %parallel_loop3A_645 {strides = array<i32>} : memref<256x128xf32, #tpu.memory_space<vmem>>, vector<1x16xf32>,
      %parallel_loop3A_646 = arith.constant 4 : i32
      %parallel_loop3A_647 = arith.muli %parallel_loop3A_128, %parallel_loop3A_646 : i32
      %parallel_loop3A_648 = arith.constant 0 : i32
      %parallel_loop3A_649 = arith.addi %parallel_loop3A_648, %parallel_loop3A_647 : i32
      %parallel_loop3A_650 = arith.constant 1 : i32
      %parallel_loop3A_651 = arith.addi %parallel_loop3A_649, %parallel_loop3A_650 : i32
      %parallel_loop3A_652 = arith.index_cast %parallel_loop3A_651 : i32 to index
      %parallel_loop3A_653 = arith.constant 96 : index
      %parallel_loop3A_654 = tpu.vector_load %arg7[%parallel_loop3A_652, %parallel_loop3A_653] {strides = array<i32>} : memref<256x128xf32, #tpu.memory_space<vmem>>, vector<1x16xf32>,
      %parallel_loop3A_655 = vector.shape_cast %parallel_loop3A_654 : vector<1x16xf32> to vector<16xf32>
      %parallel_loop3A_656 = arith.constant 11.3137083 : f32
      %parallel_loop3A_657 = vector.broadcast %parallel_loop3A_656 : f32 to vector<16xf32>
      %parallel_loop3A_658 = arith.mulf %parallel_loop3A_655, %parallel_loop3A_657 : vector<16xf32>
      %parallel_loop3A_659 = arith.addf %parallel_loop3A_658, %parallel_loop3A_626 : vector<16xf32>
      %parallel_loop3A_660 = arith.index_cast %parallel_loop3A_651 : i32 to index
      %parallel_loop3A_661 = arith.constant 96 : index
      %parallel_loop3A_662 = tpu.vector_load %arg7[%parallel_loop3A_660, %parallel_loop3A_661] {strides = array<i32>} : memref<256x128xf32, #tpu.memory_space<vmem>>, vector<1x16xf32>,
      %parallel_loop3A_663 = vector.shape_cast %parallel_loop3A_662 : vector<1x16xf32> to vector<16xf32>
      %parallel_loop3A_664 = vector.shape_cast %parallel_loop3A_659 : vector<16xf32> to vector<1x16xf32>
      tpu.vector_store %arg7[%parallel_loop3A_660, %parallel_loop3A_661], %parallel_loop3A_664 {strides = array<i32>} : memref<256x128xf32, #tpu.memory_space<vmem>>, vector<1x16xf32>,
      %parallel_loop3A_665 = arith.constant 4 : i32
      %parallel_loop3A_666 = arith.muli %parallel_loop3A_128, %parallel_loop3A_665 : i32
      %parallel_loop3A_667 = arith.constant 0 : i32
      %parallel_loop3A_668 = arith.addi %parallel_loop3A_667, %parallel_loop3A_666 : i32
      %parallel_loop3A_669 = arith.constant 2 : i32
      %parallel_loop3A_670 = arith.addi %parallel_loop3A_668, %parallel_loop3A_669 : i32
      %parallel_loop3A_671 = arith.index_cast %parallel_loop3A_670 : i32 to index
      %parallel_loop3A_672 = arith.constant 96 : index
      %parallel_loop3A_673 = tpu.vector_load %arg7[%parallel_loop3A_671, %parallel_loop3A_672] {strides = array<i32>} : memref<256x128xf32, #tpu.memory_space<vmem>>, vector<1x16xf32>,
      %parallel_loop3A_674 = vector.shape_cast %parallel_loop3A_673 : vector<1x16xf32> to vector<16xf32>
      %parallel_loop3A_675 = arith.constant 11.3137083 : f32
      %parallel_loop3A_676 = vector.broadcast %parallel_loop3A_675 : f32 to vector<16xf32>
      %parallel_loop3A_677 = arith.mulf %parallel_loop3A_674, %parallel_loop3A_676 : vector<16xf32>
      %parallel_loop3A_678 = arith.addf %parallel_loop3A_677, %parallel_loop3A_626 : vector<16xf32>
      %parallel_loop3A_679 = arith.index_cast %parallel_loop3A_670 : i32 to index
      %parallel_loop3A_680 = arith.constant 96 : index
      %parallel_loop3A_681 = tpu.vector_load %arg7[%parallel_loop3A_679, %parallel_loop3A_680] {strides = array<i32>} : memref<256x128xf32, #tpu.memory_space<vmem>>, vector<1x16xf32>,
      %parallel_loop3A_682 = vector.shape_cast %parallel_loop3A_681 : vector<1x16xf32> to vector<16xf32>
      %parallel_loop3A_683 = vector.shape_cast %parallel_loop3A_678 : vector<16xf32> to vector<1x16xf32>
      tpu.vector_store %arg7[%parallel_loop3A_679, %parallel_loop3A_680], %parallel_loop3A_683 {strides = array<i32>} : memref<256x128xf32, #tpu.memory_space<vmem>>, vector<1x16xf32>,
      %parallel_loop3A_684 = arith.constant 4 : i32
      %parallel_loop3A_685 = arith.muli %parallel_loop3A_128, %parallel_loop3A_684 : i32
      %parallel_loop3A_686 = arith.constant 0 : i32
      %parallel_loop3A_687 = arith.addi %parallel_loop3A_686, %parallel_loop3A_685 : i32
      %parallel_loop3A_688 = arith.constant 3 : i32
      %parallel_loop3A_689 = arith.addi %parallel_loop3A_687, %parallel_loop3A_688 : i32
      %parallel_loop3A_690 = arith.index_cast %parallel_loop3A_689 : i32 to index
      %parallel_loop3A_691 = arith.constant 96 : index
      %parallel_loop3A_692 = tpu.vector_load %arg7[%parallel_loop3A_690, %parallel_loop3A_691] {strides = array<i32>} : memref<256x128xf32, #tpu.memory_space<vmem>>, vector<1x16xf32>,
      %parallel_loop3A_693 = vector.shape_cast %parallel_loop3A_692 : vector<1x16xf32> to vector<16xf32>
      %parallel_loop3A_694 = arith.constant 11.3137083 : f32
      %parallel_loop3A_695 = vector.broadcast %parallel_loop3A_694 : f32 to vector<16xf32>
      %parallel_loop3A_696 = arith.mulf %parallel_loop3A_693, %parallel_loop3A_695 : vector<16xf32>
      %parallel_loop3A_697 = arith.addf %parallel_loop3A_696, %parallel_loop3A_626 : vector<16xf32>
      %parallel_loop3A_698 = arith.index_cast %parallel_loop3A_689 : i32 to index
      %parallel_loop3A_699 = arith.constant 96 : index
      %parallel_loop3A_700 = tpu.vector_load %arg7[%parallel_loop3A_698, %parallel_loop3A_699] {strides = array<i32>} : memref<256x128xf32, #tpu.memory_space<vmem>>, vector<1x16xf32>,
      %parallel_loop3A_701 = vector.shape_cast %parallel_loop3A_700 : vector<1x16xf32> to vector<16xf32>
      %parallel_loop3A_702 = vector.shape_cast %parallel_loop3A_697 : vector<16xf32> to vector<1x16xf32>
      tpu.vector_store %arg7[%parallel_loop3A_698, %parallel_loop3A_699], %parallel_loop3A_702 {strides = array<i32>} : memref<256x128xf32, #tpu.memory_space<vmem>>, vector<1x16xf32>,
      %parallel_loop3A_703 = arith.constant 0 : i32
      %parallel_loop3A_704 = arith.addi %parallel_loop3A_703, %parallel_loop3A_128 : i32
      %parallel_loop3A_705 = arith.index_cast %parallel_loop3A_704 : i32 to index
      %parallel_loop3A_706 = arith.constant 112 : index
      %parallel_loop3A_707 = tpu.vector_load %arg8[%parallel_loop3A_705, %parallel_loop3A_706] {strides = array<i32>} : memref<64x128xf32, #tpu.memory_space<vmem>>, vector<1x16xf32>,
      %parallel_loop3A_708 = vector.shape_cast %parallel_loop3A_707 : vector<1x16xf32> to vector<16xf32>
      %parallel_loop3A_709 = arith.constant 4 : i32
      %parallel_loop3A_710 = arith.muli %parallel_loop3A_128, %parallel_loop3A_709 : i32
      %parallel_loop3A_711 = arith.constant 0 : i32
      %parallel_loop3A_712 = arith.addi %parallel_loop3A_711, %parallel_loop3A_710 : i32
      %parallel_loop3A_713 = arith.constant 0 : i32
      %parallel_loop3A_714 = arith.addi %parallel_loop3A_712, %parallel_loop3A_713 : i32
      %parallel_loop3A_715 = arith.index_cast %parallel_loop3A_714 : i32 to index
      %parallel_loop3A_716 = arith.constant 112 : index
      %parallel_loop3A_717 = tpu.vector_load %arg7[%parallel_loop3A_715, %parallel_loop3A_716] {strides = array<i32>} : memref<256x128xf32, #tpu.memory_space<vmem>>, vector<1x16xf32>,
      %parallel_loop3A_718 = vector.shape_cast %parallel_loop3A_717 : vector<1x16xf32> to vector<16xf32>
      %parallel_loop3A_719 = arith.constant 11.3137083 : f32
      %parallel_loop3A_720 = vector.broadcast %parallel_loop3A_719 : f32 to vector<16xf32>
      %parallel_loop3A_721 = arith.mulf %parallel_loop3A_718, %parallel_loop3A_720 : vector<16xf32>
      %parallel_loop3A_722 = arith.addf %parallel_loop3A_721, %parallel_loop3A_708 : vector<16xf32>
      %parallel_loop3A_723 = arith.index_cast %parallel_loop3A_714 : i32 to index
      %parallel_loop3A_724 = arith.constant 112 : index
      %parallel_loop3A_725 = tpu.vector_load %arg7[%parallel_loop3A_723, %parallel_loop3A_724] {strides = array<i32>} : memref<256x128xf32, #tpu.memory_space<vmem>>, vector<1x16xf32>,
      %parallel_loop3A_726 = vector.shape_cast %parallel_loop3A_725 : vector<1x16xf32> to vector<16xf32>
      %parallel_loop3A_727 = vector.shape_cast %parallel_loop3A_722 : vector<16xf32> to vector<1x16xf32>
      tpu.vector_store %arg7[%parallel_loop3A_723, %parallel_loop3A_724], %parallel_loop3A_727 {strides = array<i32>} : memref<256x128xf32, #tpu.memory_space<vmem>>, vector<1x16xf32>,
      %parallel_loop3A_728 = arith.constant 4 : i32
      %parallel_loop3A_729 = arith.muli %parallel_loop3A_128, %parallel_loop3A_728 : i32
      %parallel_loop3A_730 = arith.constant 0 : i32
      %parallel_loop3A_731 = arith.addi %parallel_loop3A_730, %parallel_loop3A_729 : i32
      %parallel_loop3A_732 = arith.constant 1 : i32
      %parallel_loop3A_733 = arith.addi %parallel_loop3A_731, %parallel_loop3A_732 : i32
      %parallel_loop3A_734 = arith.index_cast %parallel_loop3A_733 : i32 to index
      %parallel_loop3A_735 = arith.constant 112 : index
      %parallel_loop3A_736 = tpu.vector_load %arg7[%parallel_loop3A_734, %parallel_loop3A_735] {strides = array<i32>} : memref<256x128xf32, #tpu.memory_space<vmem>>, vector<1x16xf32>,
      %parallel_loop3A_737 = vector.shape_cast %parallel_loop3A_736 : vector<1x16xf32> to vector<16xf32>
      %parallel_loop3A_738 = arith.constant 11.3137083 : f32
      %parallel_loop3A_739 = vector.broadcast %parallel_loop3A_738 : f32 to vector<16xf32>
      %parallel_loop3A_740 = arith.mulf %parallel_loop3A_737, %parallel_loop3A_739 : vector<16xf32>
      %parallel_loop3A_741 = arith.addf %parallel_loop3A_740, %parallel_loop3A_708 : vector<16xf32>
      %parallel_loop3A_742 = arith.index_cast %parallel_loop3A_733 : i32 to index
      %parallel_loop3A_743 = arith.constant 112 : index
      %parallel_loop3A_744 = tpu.vector_load %arg7[%parallel_loop3A_742, %parallel_loop3A_743] {strides = array<i32>} : memref<256x128xf32, #tpu.memory_space<vmem>>, vector<1x16xf32>,
      %parallel_loop3A_745 = vector.shape_cast %parallel_loop3A_744 : vector<1x16xf32> to vector<16xf32>
      %parallel_loop3A_746 = vector.shape_cast %parallel_loop3A_741 : vector<16xf32> to vector<1x16xf32>
      tpu.vector_store %arg7[%parallel_loop3A_742, %parallel_loop3A_743], %parallel_loop3A_746 {strides = array<i32>} : memref<256x128xf32, #tpu.memory_space<vmem>>, vector<1x16xf32>,
      %parallel_loop3A_747 = arith.constant 4 : i32
      %parallel_loop3A_748 = arith.muli %parallel_loop3A_128, %parallel_loop3A_747 : i32
      %parallel_loop3A_749 = arith.constant 0 : i32
      %parallel_loop3A_750 = arith.addi %parallel_loop3A_749, %parallel_loop3A_748 : i32
      %parallel_loop3A_751 = arith.constant 2 : i32
      %parallel_loop3A_752 = arith.addi %parallel_loop3A_750, %parallel_loop3A_751 : i32
      %parallel_loop3A_753 = arith.index_cast %parallel_loop3A_752 : i32 to index
      %parallel_loop3A_754 = arith.constant 112 : index
      %parallel_loop3A_755 = tpu.vector_load %arg7[%parallel_loop3A_753, %parallel_loop3A_754] {strides = array<i32>} : memref<256x128xf32, #tpu.memory_space<vmem>>, vector<1x16xf32>,
      %parallel_loop3A_756 = vector.shape_cast %parallel_loop3A_755 : vector<1x16xf32> to vector<16xf32>
      %parallel_loop3A_757 = arith.constant 11.3137083 : f32
      %parallel_loop3A_758 = vector.broadcast %parallel_loop3A_757 : f32 to vector<16xf32>
      %parallel_loop3A_759 = arith.mulf %parallel_loop3A_756, %parallel_loop3A_758 : vector<16xf32>
      %parallel_loop3A_760 = arith.addf %parallel_loop3A_759, %parallel_loop3A_708 : vector<16xf32>
      %parallel_loop3A_761 = arith.index_cast %parallel_loop3A_752 : i32 to index
      %parallel_loop3A_762 = arith.constant 112 : index
      %parallel_loop3A_763 = tpu.vector_load %arg7[%parallel_loop3A_761, %parallel_loop3A_762] {strides = array<i32>} : memref<256x128xf32, #tpu.memory_space<vmem>>, vector<1x16xf32>,
      %parallel_loop3A_764 = vector.shape_cast %parallel_loop3A_763 : vector<1x16xf32> to vector<16xf32>
      %parallel_loop3A_765 = vector.shape_cast %parallel_loop3A_760 : vector<16xf32> to vector<1x16xf32>
      tpu.vector_store %arg7[%parallel_loop3A_761, %parallel_loop3A_762], %parallel_loop3A_765 {strides = array<i32>} : memref<256x128xf32, #tpu.memory_space<vmem>>, vector<1x16xf32>,
      %parallel_loop3A_766 = arith.constant 4 : i32
      %parallel_loop3A_767 = arith.muli %parallel_loop3A_128, %parallel_loop3A_766 : i32
      %parallel_loop3A_768 = arith.constant 0 : i32
      %parallel_loop3A_769 = arith.addi %parallel_loop3A_768, %parallel_loop3A_767 : i32
      %parallel_loop3A_770 = arith.constant 3 : i32
      %parallel_loop3A_771 = arith.addi %parallel_loop3A_769, %parallel_loop3A_770 : i32
      %parallel_loop3A_772 = arith.index_cast %parallel_loop3A_771 : i32 to index
      %parallel_loop3A_773 = arith.constant 112 : index
      %parallel_loop3A_774 = tpu.vector_load %arg7[%parallel_loop3A_772, %parallel_loop3A_773] {strides = array<i32>} : memref<256x128xf32, #tpu.memory_space<vmem>>, vector<1x16xf32>,
      %parallel_loop3A_775 = vector.shape_cast %parallel_loop3A_774 : vector<1x16xf32> to vector<16xf32>
      %parallel_loop3A_776 = arith.constant 11.3137083 : f32
      %parallel_loop3A_777 = vector.broadcast %parallel_loop3A_776 : f32 to vector<16xf32>
      %parallel_loop3A_778 = arith.mulf %parallel_loop3A_775, %parallel_loop3A_777 : vector<16xf32>
      %parallel_loop3A_779 = arith.addf %parallel_loop3A_778, %parallel_loop3A_708 : vector<16xf32>
      %parallel_loop3A_780 = arith.index_cast %parallel_loop3A_771 : i32 to index
      %parallel_loop3A_781 = arith.constant 112 : index
      %parallel_loop3A_782 = tpu.vector_load %arg7[%parallel_loop3A_780, %parallel_loop3A_781] {strides = array<i32>} : memref<256x128xf32, #tpu.memory_space<vmem>>, vector<1x16xf32>,
      %parallel_loop3A_783 = vector.shape_cast %parallel_loop3A_782 : vector<1x16xf32> to vector<16xf32>
      %parallel_loop3A_784 = vector.shape_cast %parallel_loop3A_779 : vector<16xf32> to vector<1x16xf32>
      tpu.vector_store %arg7[%parallel_loop3A_780, %parallel_loop3A_781], %parallel_loop3A_784 {strides = array<i32>} : memref<256x128xf32, #tpu.memory_space<vmem>>, vector<1x16xf32>,
    } {sc.loop_unroll_factor = 4 : i64, sc.parallel_access}
    %dma_start3A_56 = arith.constant 0 : i32
    %dma_start3A_57 = arith.constant 0 : i32
    %dma_start3A_58 = tpu.memref_slice %arg7[%dma_start3A_56, %dma_start3A_57] : memref<256x128xf32, #tpu.memory_space<vmem>> -> memref<128x128xf32, #tpu.memory_space<vmem>>
    %dma_start3A_59 = arith.constant 0 : i32
    %dma_start3A_60 = arith.constant 0 : i32
    %dma_start3A_61 = tpu.memref_slice %arg5[%add3A, %dma_start3A_59, %dma_start3A_60] : memref<32x256x128xf32, #tpu.memory_space<hbm>> -> memref<1x128x128xf32, #tpu.memory_space<hbm>>
    %dma_start3A_62 = tpu.memref_squeeze %dma_start3A_61 : memref<1x128x128xf32, #tpu.memory_space<hbm>> -> memref<128x128xf32, #tpu.memory_space<hbm>>
    %dma_start3A_63 = arith.constant 0 : i32
    %dma_start3A_64 = arith.constant 0 : i32
    %dma_start3A_65 = tpu.memref_slice %arg5[%add3A, %dma_start3A_63, %dma_start3A_64] : memref<32x256x128xf32, #tpu.memory_space<hbm>> -> memref<1x128x128xf32, #tpu.memory_space<hbm>>
    %dma_start3A_66 = tpu.memref_squeeze %dma_start3A_65 : memref<1x128x128xf32, #tpu.memory_space<hbm>> -> memref<128x128xf32, #tpu.memory_space<hbm>>
    %dma_start3A_67 = arith.constant 0 : i32
    %dma_start3A_68 = arith.constant 0 : i32
    %dma_start3A_69 = tpu.memref_slice %arg7[%dma_start3A_67, %dma_start3A_68] : memref<256x128xf32, #tpu.memory_space<vmem>> -> memref<128x128xf32, #tpu.memory_space<vmem>>
    tpu.enqueue_dma source(%dma_start3A_69 : memref<128x128xf32, #tpu.memory_space<vmem>>) target(%dma_start3A_66 : memref<128x128xf32, #tpu.memory_space<hbm>>) target_semaphore(%arg10 : memref<!tpu.dma_semaphore, #tpu.memory_space<semaphore_mem>>)
    %dma_wait3A_70 = arith.constant 1 : i32
    %dma_wait3A_71 = arith.constant 1 : i32
    %dma_wait3A_72 = arith.constant 128 : i32
    %dma_wait3A_73 = arith.constant 0 : i32
    %dma_wait3A_74 = tpu.memref_slice %arg7[%dma_wait3A_72, %dma_wait3A_73] : memref<256x128xf32, #tpu.memory_space<vmem>> -> memref<128x128xf32, #tpu.memory_space<vmem>>
    %dma_wait3A_75 = arith.constant 0 : i32
    %dma_wait3A_76 = tpu.memref_slice %arg6[%dma_wait3A_70, %dma_wait3A_75] : memref<2x128xi32, #tpu.memory_space<vmem>> -> memref<1x128xi32, #tpu.memory_space<vmem>>
    %dma_wait3A_77 = tpu.memref_squeeze %dma_wait3A_76 : memref<1x128xi32, #tpu.memory_space<vmem>> -> memref<128xi32, #tpu.memory_space<vmem>>
    %dma_wait3A_78 = arith.constant 0 : i32
    %dma_wait3A_79 = arith.constant 0 : i32
    %dma_wait3A_80 = tpu.memref_slice %arg4[%dma_wait3A_78, %dma_wait3A_79] : memref<1000000x128xf32, #tpu.memory_space<hbm>> -> memref<1000000x128xf32, #tpu.memory_space<hbm>>
    %dma_wait3A_81 = tpu.memref_slice %arg9[%dma_wait3A_71] : memref<2x!tpu.dma_semaphore, #tpu.memory_space<semaphore_mem>> -> memref<1x!tpu.dma_semaphore, #tpu.memory_space<semaphore_mem>>
    %dma_wait3A_82 = tpu.memref_squeeze %dma_wait3A_81 : memref<1x!tpu.dma_semaphore, #tpu.memory_space<semaphore_mem>> -> memref<!tpu.dma_semaphore, #tpu.memory_space<semaphore_mem>>
    tpu.wait_indirect_dma semaphore(%dma_wait3A_82 : memref<!tpu.dma_semaphore, #tpu.memory_space<semaphore_mem>>) src(%dma_wait3A_80 : memref<1000000x128xf32, #tpu.memory_space<hbm>>) dst(%dma_wait3A_74 : memref<128x128xf32, #tpu.memory_space<vmem>>)
    %parallel_loop3A_83 = arith.constant 0 : i32
    %parallel_loop3A_84 = arith.constant 32 : i32
    %parallel_loop3A_85 = arith.constant 1 : i32
    scf.for %parallel_loop3A_128 = %parallel_loop3A_83 to %parallel_loop3A_84 step %parallel_loop3A_85  : i32 {
      %parallel_loop3A_129 = arith.constant 32 : i32
      %parallel_loop3A_130 = arith.addi %parallel_loop3A_129, %parallel_loop3A_128 : i32
      %parallel_loop3A_131 = arith.index_cast %parallel_loop3A_130 : i32 to index
      %parallel_loop3A_132 = arith.constant 0 : index
      %parallel_loop3A_133 = tpu.vector_load %arg8[%parallel_loop3A_131, %parallel_loop3A_132] {strides = array<i32>} : memref<64x128xf32, #tpu.memory_space<vmem>>, vector<1x16xf32>,
      %parallel_loop3A_134 = vector.shape_cast %parallel_loop3A_133 : vector<1x16xf32> to vector<16xf32>
      %parallel_loop3A_135 = arith.constant 4 : i32
      %parallel_loop3A_136 = arith.muli %parallel_loop3A_128, %parallel_loop3A_135 : i32
      %parallel_loop3A_137 = arith.constant 128 : i32
      %parallel_loop3A_138 = arith.addi %parallel_loop3A_137, %parallel_loop3A_136 : i32
      %parallel_loop3A_139 = arith.constant 0 : i32
      %parallel_loop3A_140 = arith.addi %parallel_loop3A_138, %parallel_loop3A_139 : i32
      %parallel_loop3A_141 = arith.index_cast %parallel_loop3A_140 : i32 to index
      %parallel_loop3A_142 = arith.constant 0 : index
      %parallel_loop3A_143 = tpu.vector_load %arg7[%parallel_loop3A_141, %parallel_loop3A_142] {strides = array<i32>} : memref<256x128xf32, #tpu.memory_space<vmem>>, vector<1x16xf32>,
      %parallel_loop3A_144 = vector.shape_cast %parallel_loop3A_143 : vector<1x16xf32> to vector<16xf32>
      %parallel_loop3A_145 = arith.constant 11.3137083 : f32
      %parallel_loop3A_146 = vector.broadcast %parallel_loop3A_145 : f32 to vector<16xf32>
      %parallel_loop3A_147 = arith.mulf %parallel_loop3A_144, %parallel_loop3A_146 : vector<16xf32>
      %parallel_loop3A_148 = arith.addf %parallel_loop3A_147, %parallel_loop3A_134 : vector<16xf32>
      %parallel_loop3A_149 = arith.index_cast %parallel_loop3A_140 : i32 to index
      %parallel_loop3A_150 = arith.constant 0 : index
      %parallel_loop3A_151 = tpu.vector_load %arg7[%parallel_loop3A_149, %parallel_loop3A_150] {strides = array<i32>} : memref<256x128xf32, #tpu.memory_space<vmem>>, vector<1x16xf32>,
      %parallel_loop3A_152 = vector.shape_cast %parallel_loop3A_151 : vector<1x16xf32> to vector<16xf32>
      %parallel_loop3A_153 = vector.shape_cast %parallel_loop3A_148 : vector<16xf32> to vector<1x16xf32>
      tpu.vector_store %arg7[%parallel_loop3A_149, %parallel_loop3A_150], %parallel_loop3A_153 {strides = array<i32>} : memref<256x128xf32, #tpu.memory_space<vmem>>, vector<1x16xf32>,
      %parallel_loop3A_154 = arith.constant 4 : i32
      %parallel_loop3A_155 = arith.muli %parallel_loop3A_128, %parallel_loop3A_154 : i32
      %parallel_loop3A_156 = arith.constant 128 : i32
      %parallel_loop3A_157 = arith.addi %parallel_loop3A_156, %parallel_loop3A_155 : i32
      %parallel_loop3A_158 = arith.constant 1 : i32
      %parallel_loop3A_159 = arith.addi %parallel_loop3A_157, %parallel_loop3A_158 : i32
      %parallel_loop3A_160 = arith.index_cast %parallel_loop3A_159 : i32 to index
      %parallel_loop3A_161 = arith.constant 0 : index
      %parallel_loop3A_162 = tpu.vector_load %arg7[%parallel_loop3A_160, %parallel_loop3A_161] {strides = array<i32>} : memref<256x128xf32, #tpu.memory_space<vmem>>, vector<1x16xf32>,
      %parallel_loop3A_163 = vector.shape_cast %parallel_loop3A_162 : vector<1x16xf32> to vector<16xf32>
      %parallel_loop3A_164 = arith.constant 11.3137083 : f32
      %parallel_loop3A_165 = vector.broadcast %parallel_loop3A_164 : f32 to vector<16xf32>
      %parallel_loop3A_166 = arith.mulf %parallel_loop3A_163, %parallel_loop3A_165 : vector<16xf32>
      %parallel_loop3A_167 = arith.addf %parallel_loop3A_166, %parallel_loop3A_134 : vector<16xf32>
      %parallel_loop3A_168 = arith.index_cast %parallel_loop3A_159 : i32 to index
      %parallel_loop3A_169 = arith.constant 0 : index
      %parallel_loop3A_170 = tpu.vector_load %arg7[%parallel_loop3A_168, %parallel_loop3A_169] {strides = array<i32>} : memref<256x128xf32, #tpu.memory_space<vmem>>, vector<1x16xf32>,
      %parallel_loop3A_171 = vector.shape_cast %parallel_loop3A_170 : vector<1x16xf32> to vector<16xf32>
      %parallel_loop3A_172 = vector.shape_cast %parallel_loop3A_167 : vector<16xf32> to vector<1x16xf32>
      tpu.vector_store %arg7[%parallel_loop3A_168, %parallel_loop3A_169], %parallel_loop3A_172 {strides = array<i32>} : memref<256x128xf32, #tpu.memory_space<vmem>>, vector<1x16xf32>,
      %parallel_loop3A_173 = arith.constant 4 : i32
      %parallel_loop3A_174 = arith.muli %parallel_loop3A_128, %parallel_loop3A_173 : i32
      %parallel_loop3A_175 = arith.constant 128 : i32
      %parallel_loop3A_176 = arith.addi %parallel_loop3A_175, %parallel_loop3A_174 : i32
      %parallel_loop3A_177 = arith.constant 2 : i32
      %parallel_loop3A_178 = arith.addi %parallel_loop3A_176, %parallel_loop3A_177 : i32
      %parallel_loop3A_179 = arith.index_cast %parallel_loop3A_178 : i32 to index
      %parallel_loop3A_180 = arith.constant 0 : index
      %parallel_loop3A_181 = tpu.vector_load %arg7[%parallel_loop3A_179, %parallel_loop3A_180] {strides = array<i32>} : memref<256x128xf32, #tpu.memory_space<vmem>>, vector<1x16xf32>,
      %parallel_loop3A_182 = vector.shape_cast %parallel_loop3A_181 : vector<1x16xf32> to vector<16xf32>
      %parallel_loop3A_183 = arith.constant 11.3137083 : f32
      %parallel_loop3A_184 = vector.broadcast %parallel_loop3A_183 : f32 to vector<16xf32>
      %parallel_loop3A_185 = arith.mulf %parallel_loop3A_182, %parallel_loop3A_184 : vector<16xf32>
      %parallel_loop3A_186 = arith.addf %parallel_loop3A_185, %parallel_loop3A_134 : vector<16xf32>
      %parallel_loop3A_187 = arith.index_cast %parallel_loop3A_178 : i32 to index
      %parallel_loop3A_188 = arith.constant 0 : index
      %parallel_loop3A_189 = tpu.vector_load %arg7[%parallel_loop3A_187, %parallel_loop3A_188] {strides = array<i32>} : memref<256x128xf32, #tpu.memory_space<vmem>>, vector<1x16xf32>,
      %parallel_loop3A_190 = vector.shape_cast %parallel_loop3A_189 : vector<1x16xf32> to vector<16xf32>
      %parallel_loop3A_191 = vector.shape_cast %parallel_loop3A_186 : vector<16xf32> to vector<1x16xf32>
      tpu.vector_store %arg7[%parallel_loop3A_187, %parallel_loop3A_188], %parallel_loop3A_191 {strides = array<i32>} : memref<256x128xf32, #tpu.memory_space<vmem>>, vector<1x16xf32>,
      %parallel_loop3A_192 = arith.constant 4 : i32
      %parallel_loop3A_193 = arith.muli %parallel_loop3A_128, %parallel_loop3A_192 : i32
      %parallel_loop3A_194 = arith.constant 128 : i32
      %parallel_loop3A_195 = arith.addi %parallel_loop3A_194, %parallel_loop3A_193 : i32
      %parallel_loop3A_196 = arith.constant 3 : i32
      %parallel_loop3A_197 = arith.addi %parallel_loop3A_195, %parallel_loop3A_196 : i32
      %parallel_loop3A_198 = arith.index_cast %parallel_loop3A_197 : i32 to index
      %parallel_loop3A_199 = arith.constant 0 : index
      %parallel_loop3A_200 = tpu.vector_load %arg7[%parallel_loop3A_198, %parallel_loop3A_199] {strides = array<i32>} : memref<256x128xf32, #tpu.memory_space<vmem>>, vector<1x16xf32>,
      %parallel_loop3A_201 = vector.shape_cast %parallel_loop3A_200 : vector<1x16xf32> to vector<16xf32>
      %parallel_loop3A_202 = arith.constant 11.3137083 : f32
      %parallel_loop3A_203 = vector.broadcast %parallel_loop3A_202 : f32 to vector<16xf32>
      %parallel_loop3A_204 = arith.mulf %parallel_loop3A_201, %parallel_loop3A_203 : vector<16xf32>
      %parallel_loop3A_205 = arith.addf %parallel_loop3A_204, %parallel_loop3A_134 : vector<16xf32>
      %parallel_loop3A_206 = arith.index_cast %parallel_loop3A_197 : i32 to index
      %parallel_loop3A_207 = arith.constant 0 : index
      %parallel_loop3A_208 = tpu.vector_load %arg7[%parallel_loop3A_206, %parallel_loop3A_207] {strides = array<i32>} : memref<256x128xf32, #tpu.memory_space<vmem>>, vector<1x16xf32>,
      %parallel_loop3A_209 = vector.shape_cast %parallel_loop3A_208 : vector<1x16xf32> to vector<16xf32>
      %parallel_loop3A_210 = vector.shape_cast %parallel_loop3A_205 : vector<16xf32> to vector<1x16xf32>
      tpu.vector_store %arg7[%parallel_loop3A_206, %parallel_loop3A_207], %parallel_loop3A_210 {strides = array<i32>} : memref<256x128xf32, #tpu.memory_space<vmem>>, vector<1x16xf32>,
      %parallel_loop3A_211 = arith.constant 32 : i32
      %parallel_loop3A_212 = arith.addi %parallel_loop3A_211, %parallel_loop3A_128 : i32
      %parallel_loop3A_213 = arith.index_cast %parallel_loop3A_212 : i32 to index
      %parallel_loop3A_214 = arith.constant 16 : index
      %parallel_loop3A_215 = tpu.vector_load %arg8[%parallel_loop3A_213, %parallel_loop3A_214] {strides = array<i32>} : memref<64x128xf32, #tpu.memory_space<vmem>>, vector<1x16xf32>,
      %parallel_loop3A_216 = vector.shape_cast %parallel_loop3A_215 : vector<1x16xf32> to vector<16xf32>
      %parallel_loop3A_217 = arith.constant 4 : i32
      %parallel_loop3A_218 = arith.muli %parallel_loop3A_128, %parallel_loop3A_217 : i32
      %parallel_loop3A_219 = arith.constant 128 : i32
      %parallel_loop3A_220 = arith.addi %parallel_loop3A_219, %parallel_loop3A_218 : i32
      %parallel_loop3A_221 = arith.constant 0 : i32
      %parallel_loop3A_222 = arith.addi %parallel_loop3A_220, %parallel_loop3A_221 : i32
      %parallel_loop3A_223 = arith.index_cast %parallel_loop3A_222 : i32 to index
      %parallel_loop3A_224 = arith.constant 16 : index
      %parallel_loop3A_225 = tpu.vector_load %arg7[%parallel_loop3A_223, %parallel_loop3A_224] {strides = array<i32>} : memref<256x128xf32, #tpu.memory_space<vmem>>, vector<1x16xf32>,
      %parallel_loop3A_226 = vector.shape_cast %parallel_loop3A_225 : vector<1x16xf32> to vector<16xf32>
      %parallel_loop3A_227 = arith.constant 11.3137083 : f32
      %parallel_loop3A_228 = vector.broadcast %parallel_loop3A_227 : f32 to vector<16xf32>
      %parallel_loop3A_229 = arith.mulf %parallel_loop3A_226, %parallel_loop3A_228 : vector<16xf32>
      %parallel_loop3A_230 = arith.addf %parallel_loop3A_229, %parallel_loop3A_216 : vector<16xf32>
      %parallel_loop3A_231 = arith.index_cast %parallel_loop3A_222 : i32 to index
      %parallel_loop3A_232 = arith.constant 16 : index
      %parallel_loop3A_233 = tpu.vector_load %arg7[%parallel_loop3A_231, %parallel_loop3A_232] {strides = array<i32>} : memref<256x128xf32, #tpu.memory_space<vmem>>, vector<1x16xf32>,
      %parallel_loop3A_234 = vector.shape_cast %parallel_loop3A_233 : vector<1x16xf32> to vector<16xf32>
      %parallel_loop3A_235 = vector.shape_cast %parallel_loop3A_230 : vector<16xf32> to vector<1x16xf32>
      tpu.vector_store %arg7[%parallel_loop3A_231, %parallel_loop3A_232], %parallel_loop3A_235 {strides = array<i32>} : memref<256x128xf32, #tpu.memory_space<vmem>>, vector<1x16xf32>,
      %parallel_loop3A_236 = arith.constant 4 : i32
      %parallel_loop3A_237 = arith.muli %parallel_loop3A_128, %parallel_loop3A_236 : i32
      %parallel_loop3A_238 = arith.constant 128 : i32
      %parallel_loop3A_239 = arith.addi %parallel_loop3A_238, %parallel_loop3A_237 : i32
      %parallel_loop3A_240 = arith.constant 1 : i32
      %parallel_loop3A_241 = arith.addi %parallel_loop3A_239, %parallel_loop3A_240 : i32
      %parallel_loop3A_242 = arith.index_cast %parallel_loop3A_241 : i32 to index
      %parallel_loop3A_243 = arith.constant 16 : index
      %parallel_loop3A_244 = tpu.vector_load %arg7[%parallel_loop3A_242, %parallel_loop3A_243] {strides = array<i32>} : memref<256x128xf32, #tpu.memory_space<vmem>>, vector<1x16xf32>,
      %parallel_loop3A_245 = vector.shape_cast %parallel_loop3A_244 : vector<1x16xf32> to vector<16xf32>
      %parallel_loop3A_246 = arith.constant 11.3137083 : f32
      %parallel_loop3A_247 = vector.broadcast %parallel_loop3A_246 : f32 to vector<16xf32>
      %parallel_loop3A_248 = arith.mulf %parallel_loop3A_245, %parallel_loop3A_247 : vector<16xf32>
      %parallel_loop3A_249 = arith.addf %parallel_loop3A_248, %parallel_loop3A_216 : vector<16xf32>
      %parallel_loop3A_250 = arith.index_cast %parallel_loop3A_241 : i32 to index
      %parallel_loop3A_251 = arith.constant 16 : index
      %parallel_loop3A_252 = tpu.vector_load %arg7[%parallel_loop3A_250, %parallel_loop3A_251] {strides = array<i32>} : memref<256x128xf32, #tpu.memory_space<vmem>>, vector<1x16xf32>,
      %parallel_loop3A_253 = vector.shape_cast %parallel_loop3A_252 : vector<1x16xf32> to vector<16xf32>
      %parallel_loop3A_254 = vector.shape_cast %parallel_loop3A_249 : vector<16xf32> to vector<1x16xf32>
      tpu.vector_store %arg7[%parallel_loop3A_250, %parallel_loop3A_251], %parallel_loop3A_254 {strides = array<i32>} : memref<256x128xf32, #tpu.memory_space<vmem>>, vector<1x16xf32>,
      %parallel_loop3A_255 = arith.constant 4 : i32
      %parallel_loop3A_256 = arith.muli %parallel_loop3A_128, %parallel_loop3A_255 : i32
      %parallel_loop3A_257 = arith.constant 128 : i32
      %parallel_loop3A_258 = arith.addi %parallel_loop3A_257, %parallel_loop3A_256 : i32
      %parallel_loop3A_259 = arith.constant 2 : i32
      %parallel_loop3A_260 = arith.addi %parallel_loop3A_258, %parallel_loop3A_259 : i32
      %parallel_loop3A_261 = arith.index_cast %parallel_loop3A_260 : i32 to index
      %parallel_loop3A_262 = arith.constant 16 : index
      %parallel_loop3A_263 = tpu.vector_load %arg7[%parallel_loop3A_261, %parallel_loop3A_262] {strides = array<i32>} : memref<256x128xf32, #tpu.memory_space<vmem>>, vector<1x16xf32>,
      %parallel_loop3A_264 = vector.shape_cast %parallel_loop3A_263 : vector<1x16xf32> to vector<16xf32>
      %parallel_loop3A_265 = arith.constant 11.3137083 : f32
      %parallel_loop3A_266 = vector.broadcast %parallel_loop3A_265 : f32 to vector<16xf32>
      %parallel_loop3A_267 = arith.mulf %parallel_loop3A_264, %parallel_loop3A_266 : vector<16xf32>
      %parallel_loop3A_268 = arith.addf %parallel_loop3A_267, %parallel_loop3A_216 : vector<16xf32>
      %parallel_loop3A_269 = arith.index_cast %parallel_loop3A_260 : i32 to index
      %parallel_loop3A_270 = arith.constant 16 : index
      %parallel_loop3A_271 = tpu.vector_load %arg7[%parallel_loop3A_269, %parallel_loop3A_270] {strides = array<i32>} : memref<256x128xf32, #tpu.memory_space<vmem>>, vector<1x16xf32>,
      %parallel_loop3A_272 = vector.shape_cast %parallel_loop3A_271 : vector<1x16xf32> to vector<16xf32>
      %parallel_loop3A_273 = vector.shape_cast %parallel_loop3A_268 : vector<16xf32> to vector<1x16xf32>
      tpu.vector_store %arg7[%parallel_loop3A_269, %parallel_loop3A_270], %parallel_loop3A_273 {strides = array<i32>} : memref<256x128xf32, #tpu.memory_space<vmem>>, vector<1x16xf32>,
      %parallel_loop3A_274 = arith.constant 4 : i32
      %parallel_loop3A_275 = arith.muli %parallel_loop3A_128, %parallel_loop3A_274 : i32
      %parallel_loop3A_276 = arith.constant 128 : i32
      %parallel_loop3A_277 = arith.addi %parallel_loop3A_276, %parallel_loop3A_275 : i32
      %parallel_loop3A_278 = arith.constant 3 : i32
      %parallel_loop3A_279 = arith.addi %parallel_loop3A_277, %parallel_loop3A_278 : i32
      %parallel_loop3A_280 = arith.index_cast %parallel_loop3A_279 : i32 to index
      %parallel_loop3A_281 = arith.constant 16 : index
      %parallel_loop3A_282 = tpu.vector_load %arg7[%parallel_loop3A_280, %parallel_loop3A_281] {strides = array<i32>} : memref<256x128xf32, #tpu.memory_space<vmem>>, vector<1x16xf32>,
      %parallel_loop3A_283 = vector.shape_cast %parallel_loop3A_282 : vector<1x16xf32> to vector<16xf32>
      %parallel_loop3A_284 = arith.constant 11.3137083 : f32
      %parallel_loop3A_285 = vector.broadcast %parallel_loop3A_284 : f32 to vector<16xf32>
      %parallel_loop3A_286 = arith.mulf %parallel_loop3A_283, %parallel_loop3A_285 : vector<16xf32>
      %parallel_loop3A_287 = arith.addf %parallel_loop3A_286, %parallel_loop3A_216 : vector<16xf32>
      %parallel_loop3A_288 = arith.index_cast %parallel_loop3A_279 : i32 to index
      %parallel_loop3A_289 = arith.constant 16 : index
      %parallel_loop3A_290 = tpu.vector_load %arg7[%parallel_loop3A_288, %parallel_loop3A_289] {strides = array<i32>} : memref<256x128xf32, #tpu.memory_space<vmem>>, vector<1x16xf32>,
      %parallel_loop3A_291 = vector.shape_cast %parallel_loop3A_290 : vector<1x16xf32> to vector<16xf32>
      %parallel_loop3A_292 = vector.shape_cast %parallel_loop3A_287 : vector<16xf32> to vector<1x16xf32>
      tpu.vector_store %arg7[%parallel_loop3A_288, %parallel_loop3A_289], %parallel_loop3A_292 {strides = array<i32>} : memref<256x128xf32, #tpu.memory_space<vmem>>, vector<1x16xf32>,
      %parallel_loop3A_293 = arith.constant 32 : i32
      %parallel_loop3A_294 = arith.addi %parallel_loop3A_293, %parallel_loop3A_128 : i32
      %parallel_loop3A_295 = arith.index_cast %parallel_loop3A_294 : i32 to index
      %parallel_loop3A_296 = arith.constant 32 : index
      %parallel_loop3A_297 = tpu.vector_load %arg8[%parallel_loop3A_295, %parallel_loop3A_296] {strides = array<i32>} : memref<64x128xf32, #tpu.memory_space<vmem>>, vector<1x16xf32>,
      %parallel_loop3A_298 = vector.shape_cast %parallel_loop3A_297 : vector<1x16xf32> to vector<16xf32>
      %parallel_loop3A_299 = arith.constant 4 : i32
      %parallel_loop3A_300 = arith.muli %parallel_loop3A_128, %parallel_loop3A_299 : i32
      %parallel_loop3A_301 = arith.constant 128 : i32
      %parallel_loop3A_302 = arith.addi %parallel_loop3A_301, %parallel_loop3A_300 : i32
      %parallel_loop3A_303 = arith.constant 0 : i32
      %parallel_loop3A_304 = arith.addi %parallel_loop3A_302, %parallel_loop3A_303 : i32
      %parallel_loop3A_305 = arith.index_cast %parallel_loop3A_304 : i32 to index
      %parallel_loop3A_306 = arith.constant 32 : index
      %parallel_loop3A_307 = tpu.vector_load %arg7[%parallel_loop3A_305, %parallel_loop3A_306] {strides = array<i32>} : memref<256x128xf32, #tpu.memory_space<vmem>>, vector<1x16xf32>,
      %parallel_loop3A_308 = vector.shape_cast %parallel_loop3A_307 : vector<1x16xf32> to vector<16xf32>
      %parallel_loop3A_309 = arith.constant 11.3137083 : f32
      %parallel_loop3A_310 = vector.broadcast %parallel_loop3A_309 : f32 to vector<16xf32>
      %parallel_loop3A_311 = arith.mulf %parallel_loop3A_308, %parallel_loop3A_310 : vector<16xf32>
      %parallel_loop3A_312 = arith.addf %parallel_loop3A_311, %parallel_loop3A_298 : vector<16xf32>
      %parallel_loop3A_313 = arith.index_cast %parallel_loop3A_304 : i32 to index
      %parallel_loop3A_314 = arith.constant 32 : index
      %parallel_loop3A_315 = tpu.vector_load %arg7[%parallel_loop3A_313, %parallel_loop3A_314] {strides = array<i32>} : memref<256x128xf32, #tpu.memory_space<vmem>>, vector<1x16xf32>,
      %parallel_loop3A_316 = vector.shape_cast %parallel_loop3A_315 : vector<1x16xf32> to vector<16xf32>
      %parallel_loop3A_317 = vector.shape_cast %parallel_loop3A_312 : vector<16xf32> to vector<1x16xf32>
      tpu.vector_store %arg7[%parallel_loop3A_313, %parallel_loop3A_314], %parallel_loop3A_317 {strides = array<i32>} : memref<256x128xf32, #tpu.memory_space<vmem>>, vector<1x16xf32>,
      %parallel_loop3A_318 = arith.constant 4 : i32
      %parallel_loop3A_319 = arith.muli %parallel_loop3A_128, %parallel_loop3A_318 : i32
      %parallel_loop3A_320 = arith.constant 128 : i32
      %parallel_loop3A_321 = arith.addi %parallel_loop3A_320, %parallel_loop3A_319 : i32
      %parallel_loop3A_322 = arith.constant 1 : i32
      %parallel_loop3A_323 = arith.addi %parallel_loop3A_321, %parallel_loop3A_322 : i32
      %parallel_loop3A_324 = arith.index_cast %parallel_loop3A_323 : i32 to index
      %parallel_loop3A_325 = arith.constant 32 : index
      %parallel_loop3A_326 = tpu.vector_load %arg7[%parallel_loop3A_324, %parallel_loop3A_325] {strides = array<i32>} : memref<256x128xf32, #tpu.memory_space<vmem>>, vector<1x16xf32>,
      %parallel_loop3A_327 = vector.shape_cast %parallel_loop3A_326 : vector<1x16xf32> to vector<16xf32>
      %parallel_loop3A_328 = arith.constant 11.3137083 : f32
      %parallel_loop3A_329 = vector.broadcast %parallel_loop3A_328 : f32 to vector<16xf32>
      %parallel_loop3A_330 = arith.mulf %parallel_loop3A_327, %parallel_loop3A_329 : vector<16xf32>
      %parallel_loop3A_331 = arith.addf %parallel_loop3A_330, %parallel_loop3A_298 : vector<16xf32>
      %parallel_loop3A_332 = arith.index_cast %parallel_loop3A_323 : i32 to index
      %parallel_loop3A_333 = arith.constant 32 : index
      %parallel_loop3A_334 = tpu.vector_load %arg7[%parallel_loop3A_332, %parallel_loop3A_333] {strides = array<i32>} : memref<256x128xf32, #tpu.memory_space<vmem>>, vector<1x16xf32>,
      %parallel_loop3A_335 = vector.shape_cast %parallel_loop3A_334 : vector<1x16xf32> to vector<16xf32>
      %parallel_loop3A_336 = vector.shape_cast %parallel_loop3A_331 : vector<16xf32> to vector<1x16xf32>
      tpu.vector_store %arg7[%parallel_loop3A_332, %parallel_loop3A_333], %parallel_loop3A_336 {strides = array<i32>} : memref<256x128xf32, #tpu.memory_space<vmem>>, vector<1x16xf32>,
      %parallel_loop3A_337 = arith.constant 4 : i32
      %parallel_loop3A_338 = arith.muli %parallel_loop3A_128, %parallel_loop3A_337 : i32
      %parallel_loop3A_339 = arith.constant 128 : i32
      %parallel_loop3A_340 = arith.addi %parallel_loop3A_339, %parallel_loop3A_338 : i32
      %parallel_loop3A_341 = arith.constant 2 : i32
      %parallel_loop3A_342 = arith.addi %parallel_loop3A_340, %parallel_loop3A_341 : i32
      %parallel_loop3A_343 = arith.index_cast %parallel_loop3A_342 : i32 to index
      %parallel_loop3A_344 = arith.constant 32 : index
      %parallel_loop3A_345 = tpu.vector_load %arg7[%parallel_loop3A_343, %parallel_loop3A_344] {strides = array<i32>} : memref<256x128xf32, #tpu.memory_space<vmem>>, vector<1x16xf32>,
      %parallel_loop3A_346 = vector.shape_cast %parallel_loop3A_345 : vector<1x16xf32> to vector<16xf32>
      %parallel_loop3A_347 = arith.constant 11.3137083 : f32
      %parallel_loop3A_348 = vector.broadcast %parallel_loop3A_347 : f32 to vector<16xf32>
      %parallel_loop3A_349 = arith.mulf %parallel_loop3A_346, %parallel_loop3A_348 : vector<16xf32>
      %parallel_loop3A_350 = arith.addf %parallel_loop3A_349, %parallel_loop3A_298 : vector<16xf32>
      %parallel_loop3A_351 = arith.index_cast %parallel_loop3A_342 : i32 to index
      %parallel_loop3A_352 = arith.constant 32 : index
      %parallel_loop3A_353 = tpu.vector_load %arg7[%parallel_loop3A_351, %parallel_loop3A_352] {strides = array<i32>} : memref<256x128xf32, #tpu.memory_space<vmem>>, vector<1x16xf32>,
      %parallel_loop3A_354 = vector.shape_cast %parallel_loop3A_353 : vector<1x16xf32> to vector<16xf32>
      %parallel_loop3A_355 = vector.shape_cast %parallel_loop3A_350 : vector<16xf32> to vector<1x16xf32>
      tpu.vector_store %arg7[%parallel_loop3A_351, %parallel_loop3A_352], %parallel_loop3A_355 {strides = array<i32>} : memref<256x128xf32, #tpu.memory_space<vmem>>, vector<1x16xf32>,
      %parallel_loop3A_356 = arith.constant 4 : i32
      %parallel_loop3A_357 = arith.muli %parallel_loop3A_128, %parallel_loop3A_356 : i32
      %parallel_loop3A_358 = arith.constant 128 : i32
      %parallel_loop3A_359 = arith.addi %parallel_loop3A_358, %parallel_loop3A_357 : i32
      %parallel_loop3A_360 = arith.constant 3 : i32
      %parallel_loop3A_361 = arith.addi %parallel_loop3A_359, %parallel_loop3A_360 : i32
      %parallel_loop3A_362 = arith.index_cast %parallel_loop3A_361 : i32 to index
      %parallel_loop3A_363 = arith.constant 32 : index
      %parallel_loop3A_364 = tpu.vector_load %arg7[%parallel_loop3A_362, %parallel_loop3A_363] {strides = array<i32>} : memref<256x128xf32, #tpu.memory_space<vmem>>, vector<1x16xf32>,
      %parallel_loop3A_365 = vector.shape_cast %parallel_loop3A_364 : vector<1x16xf32> to vector<16xf32>
      %parallel_loop3A_366 = arith.constant 11.3137083 : f32
      %parallel_loop3A_367 = vector.broadcast %parallel_loop3A_366 : f32 to vector<16xf32>
      %parallel_loop3A_368 = arith.mulf %parallel_loop3A_365, %parallel_loop3A_367 : vector<16xf32>
      %parallel_loop3A_369 = arith.addf %parallel_loop3A_368, %parallel_loop3A_298 : vector<16xf32>
      %parallel_loop3A_370 = arith.index_cast %parallel_loop3A_361 : i32 to index
      %parallel_loop3A_371 = arith.constant 32 : index
      %parallel_loop3A_372 = tpu.vector_load %arg7[%parallel_loop3A_370, %parallel_loop3A_371] {strides = array<i32>} : memref<256x128xf32, #tpu.memory_space<vmem>>, vector<1x16xf32>,
      %parallel_loop3A_373 = vector.shape_cast %parallel_loop3A_372 : vector<1x16xf32> to vector<16xf32>
      %parallel_loop3A_374 = vector.shape_cast %parallel_loop3A_369 : vector<16xf32> to vector<1x16xf32>
      tpu.vector_store %arg7[%parallel_loop3A_370, %parallel_loop3A_371], %parallel_loop3A_374 {strides = array<i32>} : memref<256x128xf32, #tpu.memory_space<vmem>>, vector<1x16xf32>,
      %parallel_loop3A_375 = arith.constant 32 : i32
      %parallel_loop3A_376 = arith.addi %parallel_loop3A_375, %parallel_loop3A_128 : i32
      %parallel_loop3A_377 = arith.index_cast %parallel_loop3A_376 : i32 to index
      %parallel_loop3A_378 = arith.constant 48 : index
      %parallel_loop3A_379 = tpu.vector_load %arg8[%parallel_loop3A_377, %parallel_loop3A_378] {strides = array<i32>} : memref<64x128xf32, #tpu.memory_space<vmem>>, vector<1x16xf32>,
      %parallel_loop3A_380 = vector.shape_cast %parallel_loop3A_379 : vector<1x16xf32> to vector<16xf32>
      %parallel_loop3A_381 = arith.constant 4 : i32
      %parallel_loop3A_382 = arith.muli %parallel_loop3A_128, %parallel_loop3A_381 : i32
      %parallel_loop3A_383 = arith.constant 128 : i32
      %parallel_loop3A_384 = arith.addi %parallel_loop3A_383, %parallel_loop3A_382 : i32
      %parallel_loop3A_385 = arith.constant 0 : i32
      %parallel_loop3A_386 = arith.addi %parallel_loop3A_384, %parallel_loop3A_385 : i32
      %parallel_loop3A_387 = arith.index_cast %parallel_loop3A_386 : i32 to index
      %parallel_loop3A_388 = arith.constant 48 : index
      %parallel_loop3A_389 = tpu.vector_load %arg7[%parallel_loop3A_387, %parallel_loop3A_388] {strides = array<i32>} : memref<256x128xf32, #tpu.memory_space<vmem>>, vector<1x16xf32>,
      %parallel_loop3A_390 = vector.shape_cast %parallel_loop3A_389 : vector<1x16xf32> to vector<16xf32>
      %parallel_loop3A_391 = arith.constant 11.3137083 : f32
      %parallel_loop3A_392 = vector.broadcast %parallel_loop3A_391 : f32 to vector<16xf32>
      %parallel_loop3A_393 = arith.mulf %parallel_loop3A_390, %parallel_loop3A_392 : vector<16xf32>
      %parallel_loop3A_394 = arith.addf %parallel_loop3A_393, %parallel_loop3A_380 : vector<16xf32>
      %parallel_loop3A_395 = arith.index_cast %parallel_loop3A_386 : i32 to index
      %parallel_loop3A_396 = arith.constant 48 : index
      %parallel_loop3A_397 = tpu.vector_load %arg7[%parallel_loop3A_395, %parallel_loop3A_396] {strides = array<i32>} : memref<256x128xf32, #tpu.memory_space<vmem>>, vector<1x16xf32>,
      %parallel_loop3A_398 = vector.shape_cast %parallel_loop3A_397 : vector<1x16xf32> to vector<16xf32>
      %parallel_loop3A_399 = vector.shape_cast %parallel_loop3A_394 : vector<16xf32> to vector<1x16xf32>
      tpu.vector_store %arg7[%parallel_loop3A_395, %parallel_loop3A_396], %parallel_loop3A_399 {strides = array<i32>} : memref<256x128xf32, #tpu.memory_space<vmem>>, vector<1x16xf32>,
      %parallel_loop3A_400 = arith.constant 4 : i32
      %parallel_loop3A_401 = arith.muli %parallel_loop3A_128, %parallel_loop3A_400 : i32
      %parallel_loop3A_402 = arith.constant 128 : i32
      %parallel_loop3A_403 = arith.addi %parallel_loop3A_402, %parallel_loop3A_401 : i32
      %parallel_loop3A_404 = arith.constant 1 : i32
      %parallel_loop3A_405 = arith.addi %parallel_loop3A_403, %parallel_loop3A_404 : i32
      %parallel_loop3A_406 = arith.index_cast %parallel_loop3A_405 : i32 to index
      %parallel_loop3A_407 = arith.constant 48 : index
      %parallel_loop3A_408 = tpu.vector_load %arg7[%parallel_loop3A_406, %parallel_loop3A_407] {strides = array<i32>} : memref<256x128xf32, #tpu.memory_space<vmem>>, vector<1x16xf32>,
      %parallel_loop3A_409 = vector.shape_cast %parallel_loop3A_408 : vector<1x16xf32> to vector<16xf32>
      %parallel_loop3A_410 = arith.constant 11.3137083 : f32
      %parallel_loop3A_411 = vector.broadcast %parallel_loop3A_410 : f32 to vector<16xf32>
      %parallel_loop3A_412 = arith.mulf %parallel_loop3A_409, %parallel_loop3A_411 : vector<16xf32>
      %parallel_loop3A_413 = arith.addf %parallel_loop3A_412, %parallel_loop3A_380 : vector<16xf32>
      %parallel_loop3A_414 = arith.index_cast %parallel_loop3A_405 : i32 to index
      %parallel_loop3A_415 = arith.constant 48 : index
      %parallel_loop3A_416 = tpu.vector_load %arg7[%parallel_loop3A_414, %parallel_loop3A_415] {strides = array<i32>} : memref<256x128xf32, #tpu.memory_space<vmem>>, vector<1x16xf32>,
      %parallel_loop3A_417 = vector.shape_cast %parallel_loop3A_416 : vector<1x16xf32> to vector<16xf32>
      %parallel_loop3A_418 = vector.shape_cast %parallel_loop3A_413 : vector<16xf32> to vector<1x16xf32>
      tpu.vector_store %arg7[%parallel_loop3A_414, %parallel_loop3A_415], %parallel_loop3A_418 {strides = array<i32>} : memref<256x128xf32, #tpu.memory_space<vmem>>, vector<1x16xf32>,
      %parallel_loop3A_419 = arith.constant 4 : i32
      %parallel_loop3A_420 = arith.muli %parallel_loop3A_128, %parallel_loop3A_419 : i32
      %parallel_loop3A_421 = arith.constant 128 : i32
      %parallel_loop3A_422 = arith.addi %parallel_loop3A_421, %parallel_loop3A_420 : i32
      %parallel_loop3A_423 = arith.constant 2 : i32
      %parallel_loop3A_424 = arith.addi %parallel_loop3A_422, %parallel_loop3A_423 : i32
      %parallel_loop3A_425 = arith.index_cast %parallel_loop3A_424 : i32 to index
      %parallel_loop3A_426 = arith.constant 48 : index
      %parallel_loop3A_427 = tpu.vector_load %arg7[%parallel_loop3A_425, %parallel_loop3A_426] {strides = array<i32>} : memref<256x128xf32, #tpu.memory_space<vmem>>, vector<1x16xf32>,
      %parallel_loop3A_428 = vector.shape_cast %parallel_loop3A_427 : vector<1x16xf32> to vector<16xf32>
      %parallel_loop3A_429 = arith.constant 11.3137083 : f32
      %parallel_loop3A_430 = vector.broadcast %parallel_loop3A_429 : f32 to vector<16xf32>
      %parallel_loop3A_431 = arith.mulf %parallel_loop3A_428, %parallel_loop3A_430 : vector<16xf32>
      %parallel_loop3A_432 = arith.addf %parallel_loop3A_431, %parallel_loop3A_380 : vector<16xf32>
      %parallel_loop3A_433 = arith.index_cast %parallel_loop3A_424 : i32 to index
      %parallel_loop3A_434 = arith.constant 48 : index
      %parallel_loop3A_435 = tpu.vector_load %arg7[%parallel_loop3A_433, %parallel_loop3A_434] {strides = array<i32>} : memref<256x128xf32, #tpu.memory_space<vmem>>, vector<1x16xf32>,
      %parallel_loop3A_436 = vector.shape_cast %parallel_loop3A_435 : vector<1x16xf32> to vector<16xf32>
      %parallel_loop3A_437 = vector.shape_cast %parallel_loop3A_432 : vector<16xf32> to vector<1x16xf32>
      tpu.vector_store %arg7[%parallel_loop3A_433, %parallel_loop3A_434], %parallel_loop3A_437 {strides = array<i32>} : memref<256x128xf32, #tpu.memory_space<vmem>>, vector<1x16xf32>,
      %parallel_loop3A_438 = arith.constant 4 : i32
      %parallel_loop3A_439 = arith.muli %parallel_loop3A_128, %parallel_loop3A_438 : i32
      %parallel_loop3A_440 = arith.constant 128 : i32
      %parallel_loop3A_441 = arith.addi %parallel_loop3A_440, %parallel_loop3A_439 : i32
      %parallel_loop3A_442 = arith.constant 3 : i32
      %parallel_loop3A_443 = arith.addi %parallel_loop3A_441, %parallel_loop3A_442 : i32
      %parallel_loop3A_444 = arith.index_cast %parallel_loop3A_443 : i32 to index
      %parallel_loop3A_445 = arith.constant 48 : index
      %parallel_loop3A_446 = tpu.vector_load %arg7[%parallel_loop3A_444, %parallel_loop3A_445] {strides = array<i32>} : memref<256x128xf32, #tpu.memory_space<vmem>>, vector<1x16xf32>,
      %parallel_loop3A_447 = vector.shape_cast %parallel_loop3A_446 : vector<1x16xf32> to vector<16xf32>
      %parallel_loop3A_448 = arith.constant 11.3137083 : f32
      %parallel_loop3A_449 = vector.broadcast %parallel_loop3A_448 : f32 to vector<16xf32>
      %parallel_loop3A_450 = arith.mulf %parallel_loop3A_447, %parallel_loop3A_449 : vector<16xf32>
      %parallel_loop3A_451 = arith.addf %parallel_loop3A_450, %parallel_loop3A_380 : vector<16xf32>
      %parallel_loop3A_452 = arith.index_cast %parallel_loop3A_443 : i32 to index
      %parallel_loop3A_453 = arith.constant 48 : index
      %parallel_loop3A_454 = tpu.vector_load %arg7[%parallel_loop3A_452, %parallel_loop3A_453] {strides = array<i32>} : memref<256x128xf32, #tpu.memory_space<vmem>>, vector<1x16xf32>,
      %parallel_loop3A_455 = vector.shape_cast %parallel_loop3A_454 : vector<1x16xf32> to vector<16xf32>
      %parallel_loop3A_456 = vector.shape_cast %parallel_loop3A_451 : vector<16xf32> to vector<1x16xf32>
      tpu.vector_store %arg7[%parallel_loop3A_452, %parallel_loop3A_453], %parallel_loop3A_456 {strides = array<i32>} : memref<256x128xf32, #tpu.memory_space<vmem>>, vector<1x16xf32>,
      %parallel_loop3A_457 = arith.constant 32 : i32
      %parallel_loop3A_458 = arith.addi %parallel_loop3A_457, %parallel_loop3A_128 : i32
      %parallel_loop3A_459 = arith.index_cast %parallel_loop3A_458 : i32 to index
      %parallel_loop3A_460 = arith.constant 64 : index
      %parallel_loop3A_461 = tpu.vector_load %arg8[%parallel_loop3A_459, %parallel_loop3A_460] {strides = array<i32>} : memref<64x128xf32, #tpu.memory_space<vmem>>, vector<1x16xf32>,
      %parallel_loop3A_462 = vector.shape_cast %parallel_loop3A_461 : vector<1x16xf32> to vector<16xf32>
      %parallel_loop3A_463 = arith.constant 4 : i32
      %parallel_loop3A_464 = arith.muli %parallel_loop3A_128, %parallel_loop3A_463 : i32
      %parallel_loop3A_465 = arith.constant 128 : i32
      %parallel_loop3A_466 = arith.addi %parallel_loop3A_465, %parallel_loop3A_464 : i32
      %parallel_loop3A_467 = arith.constant 0 : i32
      %parallel_loop3A_468 = arith.addi %parallel_loop3A_466, %parallel_loop3A_467 : i32
      %parallel_loop3A_469 = arith.index_cast %parallel_loop3A_468 : i32 to index
      %parallel_loop3A_470 = arith.constant 64 : index
      %parallel_loop3A_471 = tpu.vector_load %arg7[%parallel_loop3A_469, %parallel_loop3A_470] {strides = array<i32>} : memref<256x128xf32, #tpu.memory_space<vmem>>, vector<1x16xf32>,
      %parallel_loop3A_472 = vector.shape_cast %parallel_loop3A_471 : vector<1x16xf32> to vector<16xf32>
      %parallel_loop3A_473 = arith.constant 11.3137083 : f32
      %parallel_loop3A_474 = vector.broadcast %parallel_loop3A_473 : f32 to vector<16xf32>
      %parallel_loop3A_475 = arith.mulf %parallel_loop3A_472, %parallel_loop3A_474 : vector<16xf32>
      %parallel_loop3A_476 = arith.addf %parallel_loop3A_475, %parallel_loop3A_462 : vector<16xf32>
      %parallel_loop3A_477 = arith.index_cast %parallel_loop3A_468 : i32 to index
      %parallel_loop3A_478 = arith.constant 64 : index
      %parallel_loop3A_479 = tpu.vector_load %arg7[%parallel_loop3A_477, %parallel_loop3A_478] {strides = array<i32>} : memref<256x128xf32, #tpu.memory_space<vmem>>, vector<1x16xf32>,
      %parallel_loop3A_480 = vector.shape_cast %parallel_loop3A_479 : vector<1x16xf32> to vector<16xf32>
      %parallel_loop3A_481 = vector.shape_cast %parallel_loop3A_476 : vector<16xf32> to vector<1x16xf32>
      tpu.vector_store %arg7[%parallel_loop3A_477, %parallel_loop3A_478], %parallel_loop3A_481 {strides = array<i32>} : memref<256x128xf32, #tpu.memory_space<vmem>>, vector<1x16xf32>,
      %parallel_loop3A_482 = arith.constant 4 : i32
      %parallel_loop3A_483 = arith.muli %parallel_loop3A_128, %parallel_loop3A_482 : i32
      %parallel_loop3A_484 = arith.constant 128 : i32
      %parallel_loop3A_485 = arith.addi %parallel_loop3A_484, %parallel_loop3A_483 : i32
      %parallel_loop3A_486 = arith.constant 1 : i32
      %parallel_loop3A_487 = arith.addi %parallel_loop3A_485, %parallel_loop3A_486 : i32
      %parallel_loop3A_488 = arith.index_cast %parallel_loop3A_487 : i32 to index
      %parallel_loop3A_489 = arith.constant 64 : index
      %parallel_loop3A_490 = tpu.vector_load %arg7[%parallel_loop3A_488, %parallel_loop3A_489] {strides = array<i32>} : memref<256x128xf32, #tpu.memory_space<vmem>>, vector<1x16xf32>,
      %parallel_loop3A_491 = vector.shape_cast %parallel_loop3A_490 : vector<1x16xf32> to vector<16xf32>
      %parallel_loop3A_492 = arith.constant 11.3137083 : f32
      %parallel_loop3A_493 = vector.broadcast %parallel_loop3A_492 : f32 to vector<16xf32>
      %parallel_loop3A_494 = arith.mulf %parallel_loop3A_491, %parallel_loop3A_493 : vector<16xf32>
      %parallel_loop3A_495 = arith.addf %parallel_loop3A_494, %parallel_loop3A_462 : vector<16xf32>
      %parallel_loop3A_496 = arith.index_cast %parallel_loop3A_487 : i32 to index
      %parallel_loop3A_497 = arith.constant 64 : index
      %parallel_loop3A_498 = tpu.vector_load %arg7[%parallel_loop3A_496, %parallel_loop3A_497] {strides = array<i32>} : memref<256x128xf32, #tpu.memory_space<vmem>>, vector<1x16xf32>,
      %parallel_loop3A_499 = vector.shape_cast %parallel_loop3A_498 : vector<1x16xf32> to vector<16xf32>
      %parallel_loop3A_500 = vector.shape_cast %parallel_loop3A_495 : vector<16xf32> to vector<1x16xf32>
      tpu.vector_store %arg7[%parallel_loop3A_496, %parallel_loop3A_497], %parallel_loop3A_500 {strides = array<i32>} : memref<256x128xf32, #tpu.memory_space<vmem>>, vector<1x16xf32>,
      %parallel_loop3A_501 = arith.constant 4 : i32
      %parallel_loop3A_502 = arith.muli %parallel_loop3A_128, %parallel_loop3A_501 : i32
      %parallel_loop3A_503 = arith.constant 128 : i32
      %parallel_loop3A_504 = arith.addi %parallel_loop3A_503, %parallel_loop3A_502 : i32
      %parallel_loop3A_505 = arith.constant 2 : i32
      %parallel_loop3A_506 = arith.addi %parallel_loop3A_504, %parallel_loop3A_505 : i32
      %parallel_loop3A_507 = arith.index_cast %parallel_loop3A_506 : i32 to index
      %parallel_loop3A_508 = arith.constant 64 : index
      %parallel_loop3A_509 = tpu.vector_load %arg7[%parallel_loop3A_507, %parallel_loop3A_508] {strides = array<i32>} : memref<256x128xf32, #tpu.memory_space<vmem>>, vector<1x16xf32>,
      %parallel_loop3A_510 = vector.shape_cast %parallel_loop3A_509 : vector<1x16xf32> to vector<16xf32>
      %parallel_loop3A_511 = arith.constant 11.3137083 : f32
      %parallel_loop3A_512 = vector.broadcast %parallel_loop3A_511 : f32 to vector<16xf32>
      %parallel_loop3A_513 = arith.mulf %parallel_loop3A_510, %parallel_loop3A_512 : vector<16xf32>
      %parallel_loop3A_514 = arith.addf %parallel_loop3A_513, %parallel_loop3A_462 : vector<16xf32>
      %parallel_loop3A_515 = arith.index_cast %parallel_loop3A_506 : i32 to index
      %parallel_loop3A_516 = arith.constant 64 : index
      %parallel_loop3A_517 = tpu.vector_load %arg7[%parallel_loop3A_515, %parallel_loop3A_516] {strides = array<i32>} : memref<256x128xf32, #tpu.memory_space<vmem>>, vector<1x16xf32>,
      %parallel_loop3A_518 = vector.shape_cast %parallel_loop3A_517 : vector<1x16xf32> to vector<16xf32>
      %parallel_loop3A_519 = vector.shape_cast %parallel_loop3A_514 : vector<16xf32> to vector<1x16xf32>
      tpu.vector_store %arg7[%parallel_loop3A_515, %parallel_loop3A_516], %parallel_loop3A_519 {strides = array<i32>} : memref<256x128xf32, #tpu.memory_space<vmem>>, vector<1x16xf32>,
      %parallel_loop3A_520 = arith.constant 4 : i32
      %parallel_loop3A_521 = arith.muli %parallel_loop3A_128, %parallel_loop3A_520 : i32
      %parallel_loop3A_522 = arith.constant 128 : i32
      %parallel_loop3A_523 = arith.addi %parallel_loop3A_522, %parallel_loop3A_521 : i32
      %parallel_loop3A_524 = arith.constant 3 : i32
      %parallel_loop3A_525 = arith.addi %parallel_loop3A_523, %parallel_loop3A_524 : i32
      %parallel_loop3A_526 = arith.index_cast %parallel_loop3A_525 : i32 to index
      %parallel_loop3A_527 = arith.constant 64 : index
      %parallel_loop3A_528 = tpu.vector_load %arg7[%parallel_loop3A_526, %parallel_loop3A_527] {strides = array<i32>} : memref<256x128xf32, #tpu.memory_space<vmem>>, vector<1x16xf32>,
      %parallel_loop3A_529 = vector.shape_cast %parallel_loop3A_528 : vector<1x16xf32> to vector<16xf32>
      %parallel_loop3A_530 = arith.constant 11.3137083 : f32
      %parallel_loop3A_531 = vector.broadcast %parallel_loop3A_530 : f32 to vector<16xf32>
      %parallel_loop3A_532 = arith.mulf %parallel_loop3A_529, %parallel_loop3A_531 : vector<16xf32>
      %parallel_loop3A_533 = arith.addf %parallel_loop3A_532, %parallel_loop3A_462 : vector<16xf32>
      %parallel_loop3A_534 = arith.index_cast %parallel_loop3A_525 : i32 to index
      %parallel_loop3A_535 = arith.constant 64 : index
      %parallel_loop3A_536 = tpu.vector_load %arg7[%parallel_loop3A_534, %parallel_loop3A_535] {strides = array<i32>} : memref<256x128xf32, #tpu.memory_space<vmem>>, vector<1x16xf32>,
      %parallel_loop3A_537 = vector.shape_cast %parallel_loop3A_536 : vector<1x16xf32> to vector<16xf32>
      %parallel_loop3A_538 = vector.shape_cast %parallel_loop3A_533 : vector<16xf32> to vector<1x16xf32>
      tpu.vector_store %arg7[%parallel_loop3A_534, %parallel_loop3A_535], %parallel_loop3A_538 {strides = array<i32>} : memref<256x128xf32, #tpu.memory_space<vmem>>, vector<1x16xf32>,
      %parallel_loop3A_539 = arith.constant 32 : i32
      %parallel_loop3A_540 = arith.addi %parallel_loop3A_539, %parallel_loop3A_128 : i32
      %parallel_loop3A_541 = arith.index_cast %parallel_loop3A_540 : i32 to index
      %parallel_loop3A_542 = arith.constant 80 : index
      %parallel_loop3A_543 = tpu.vector_load %arg8[%parallel_loop3A_541, %parallel_loop3A_542] {strides = array<i32>} : memref<64x128xf32, #tpu.memory_space<vmem>>, vector<1x16xf32>,
      %parallel_loop3A_544 = vector.shape_cast %parallel_loop3A_543 : vector<1x16xf32> to vector<16xf32>
      %parallel_loop3A_545 = arith.constant 4 : i32
      %parallel_loop3A_546 = arith.muli %parallel_loop3A_128, %parallel_loop3A_545 : i32
      %parallel_loop3A_547 = arith.constant 128 : i32
      %parallel_loop3A_548 = arith.addi %parallel_loop3A_547, %parallel_loop3A_546 : i32
      %parallel_loop3A_549 = arith.constant 0 : i32
      %parallel_loop3A_550 = arith.addi %parallel_loop3A_548, %parallel_loop3A_549 : i32
      %parallel_loop3A_551 = arith.index_cast %parallel_loop3A_550 : i32 to index
      %parallel_loop3A_552 = arith.constant 80 : index
      %parallel_loop3A_553 = tpu.vector_load %arg7[%parallel_loop3A_551, %parallel_loop3A_552] {strides = array<i32>} : memref<256x128xf32, #tpu.memory_space<vmem>>, vector<1x16xf32>,
      %parallel_loop3A_554 = vector.shape_cast %parallel_loop3A_553 : vector<1x16xf32> to vector<16xf32>
      %parallel_loop3A_555 = arith.constant 11.3137083 : f32
      %parallel_loop3A_556 = vector.broadcast %parallel_loop3A_555 : f32 to vector<16xf32>
      %parallel_loop3A_557 = arith.mulf %parallel_loop3A_554, %parallel_loop3A_556 : vector<16xf32>
      %parallel_loop3A_558 = arith.addf %parallel_loop3A_557, %parallel_loop3A_544 : vector<16xf32>
      %parallel_loop3A_559 = arith.index_cast %parallel_loop3A_550 : i32 to index
      %parallel_loop3A_560 = arith.constant 80 : index
      %parallel_loop3A_561 = tpu.vector_load %arg7[%parallel_loop3A_559, %parallel_loop3A_560] {strides = array<i32>} : memref<256x128xf32, #tpu.memory_space<vmem>>, vector<1x16xf32>,
      %parallel_loop3A_562 = vector.shape_cast %parallel_loop3A_561 : vector<1x16xf32> to vector<16xf32>
      %parallel_loop3A_563 = vector.shape_cast %parallel_loop3A_558 : vector<16xf32> to vector<1x16xf32>
      tpu.vector_store %arg7[%parallel_loop3A_559, %parallel_loop3A_560], %parallel_loop3A_563 {strides = array<i32>} : memref<256x128xf32, #tpu.memory_space<vmem>>, vector<1x16xf32>,
      %parallel_loop3A_564 = arith.constant 4 : i32
      %parallel_loop3A_565 = arith.muli %parallel_loop3A_128, %parallel_loop3A_564 : i32
      %parallel_loop3A_566 = arith.constant 128 : i32
      %parallel_loop3A_567 = arith.addi %parallel_loop3A_566, %parallel_loop3A_565 : i32
      %parallel_loop3A_568 = arith.constant 1 : i32
      %parallel_loop3A_569 = arith.addi %parallel_loop3A_567, %parallel_loop3A_568 : i32
      %parallel_loop3A_570 = arith.index_cast %parallel_loop3A_569 : i32 to index
      %parallel_loop3A_571 = arith.constant 80 : index
      %parallel_loop3A_572 = tpu.vector_load %arg7[%parallel_loop3A_570, %parallel_loop3A_571] {strides = array<i32>} : memref<256x128xf32, #tpu.memory_space<vmem>>, vector<1x16xf32>,
      %parallel_loop3A_573 = vector.shape_cast %parallel_loop3A_572 : vector<1x16xf32> to vector<16xf32>
      %parallel_loop3A_574 = arith.constant 11.3137083 : f32
      %parallel_loop3A_575 = vector.broadcast %parallel_loop3A_574 : f32 to vector<16xf32>
      %parallel_loop3A_576 = arith.mulf %parallel_loop3A_573, %parallel_loop3A_575 : vector<16xf32>
      %parallel_loop3A_577 = arith.addf %parallel_loop3A_576, %parallel_loop3A_544 : vector<16xf32>
      %parallel_loop3A_578 = arith.index_cast %parallel_loop3A_569 : i32 to index
      %parallel_loop3A_579 = arith.constant 80 : index
      %parallel_loop3A_580 = tpu.vector_load %arg7[%parallel_loop3A_578, %parallel_loop3A_579] {strides = array<i32>} : memref<256x128xf32, #tpu.memory_space<vmem>>, vector<1x16xf32>,
      %parallel_loop3A_581 = vector.shape_cast %parallel_loop3A_580 : vector<1x16xf32> to vector<16xf32>
      %parallel_loop3A_582 = vector.shape_cast %parallel_loop3A_577 : vector<16xf32> to vector<1x16xf32>
      tpu.vector_store %arg7[%parallel_loop3A_578, %parallel_loop3A_579], %parallel_loop3A_582 {strides = array<i32>} : memref<256x128xf32, #tpu.memory_space<vmem>>, vector<1x16xf32>,
      %parallel_loop3A_583 = arith.constant 4 : i32
      %parallel_loop3A_584 = arith.muli %parallel_loop3A_128, %parallel_loop3A_583 : i32
      %parallel_loop3A_585 = arith.constant 128 : i32
      %parallel_loop3A_586 = arith.addi %parallel_loop3A_585, %parallel_loop3A_584 : i32
      %parallel_loop3A_587 = arith.constant 2 : i32
      %parallel_loop3A_588 = arith.addi %parallel_loop3A_586, %parallel_loop3A_587 : i32
      %parallel_loop3A_589 = arith.index_cast %parallel_loop3A_588 : i32 to index
      %parallel_loop3A_590 = arith.constant 80 : index
      %parallel_loop3A_591 = tpu.vector_load %arg7[%parallel_loop3A_589, %parallel_loop3A_590] {strides = array<i32>} : memref<256x128xf32, #tpu.memory_space<vmem>>, vector<1x16xf32>,
      %parallel_loop3A_592 = vector.shape_cast %parallel_loop3A_591 : vector<1x16xf32> to vector<16xf32>
      %parallel_loop3A_593 = arith.constant 11.3137083 : f32
      %parallel_loop3A_594 = vector.broadcast %parallel_loop3A_593 : f32 to vector<16xf32>
      %parallel_loop3A_595 = arith.mulf %parallel_loop3A_592, %parallel_loop3A_594 : vector<16xf32>
      %parallel_loop3A_596 = arith.addf %parallel_loop3A_595, %parallel_loop3A_544 : vector<16xf32>
      %parallel_loop3A_597 = arith.index_cast %parallel_loop3A_588 : i32 to index
      %parallel_loop3A_598 = arith.constant 80 : index
      %parallel_loop3A_599 = tpu.vector_load %arg7[%parallel_loop3A_597, %parallel_loop3A_598] {strides = array<i32>} : memref<256x128xf32, #tpu.memory_space<vmem>>, vector<1x16xf32>,
      %parallel_loop3A_600 = vector.shape_cast %parallel_loop3A_599 : vector<1x16xf32> to vector<16xf32>
      %parallel_loop3A_601 = vector.shape_cast %parallel_loop3A_596 : vector<16xf32> to vector<1x16xf32>
      tpu.vector_store %arg7[%parallel_loop3A_597, %parallel_loop3A_598], %parallel_loop3A_601 {strides = array<i32>} : memref<256x128xf32, #tpu.memory_space<vmem>>, vector<1x16xf32>,
      %parallel_loop3A_602 = arith.constant 4 : i32
      %parallel_loop3A_603 = arith.muli %parallel_loop3A_128, %parallel_loop3A_602 : i32
      %parallel_loop3A_604 = arith.constant 128 : i32
      %parallel_loop3A_605 = arith.addi %parallel_loop3A_604, %parallel_loop3A_603 : i32
      %parallel_loop3A_606 = arith.constant 3 : i32
      %parallel_loop3A_607 = arith.addi %parallel_loop3A_605, %parallel_loop3A_606 : i32
      %parallel_loop3A_608 = arith.index_cast %parallel_loop3A_607 : i32 to index
      %parallel_loop3A_609 = arith.constant 80 : index
      %parallel_loop3A_610 = tpu.vector_load %arg7[%parallel_loop3A_608, %parallel_loop3A_609] {strides = array<i32>} : memref<256x128xf32, #tpu.memory_space<vmem>>, vector<1x16xf32>,
      %parallel_loop3A_611 = vector.shape_cast %parallel_loop3A_610 : vector<1x16xf32> to vector<16xf32>
      %parallel_loop3A_612 = arith.constant 11.3137083 : f32
      %parallel_loop3A_613 = vector.broadcast %parallel_loop3A_612 : f32 to vector<16xf32>
      %parallel_loop3A_614 = arith.mulf %parallel_loop3A_611, %parallel_loop3A_613 : vector<16xf32>
      %parallel_loop3A_615 = arith.addf %parallel_loop3A_614, %parallel_loop3A_544 : vector<16xf32>
      %parallel_loop3A_616 = arith.index_cast %parallel_loop3A_607 : i32 to index
      %parallel_loop3A_617 = arith.constant 80 : index
      %parallel_loop3A_618 = tpu.vector_load %arg7[%parallel_loop3A_616, %parallel_loop3A_617] {strides = array<i32>} : memref<256x128xf32, #tpu.memory_space<vmem>>, vector<1x16xf32>,
      %parallel_loop3A_619 = vector.shape_cast %parallel_loop3A_618 : vector<1x16xf32> to vector<16xf32>
      %parallel_loop3A_620 = vector.shape_cast %parallel_loop3A_615 : vector<16xf32> to vector<1x16xf32>
      tpu.vector_store %arg7[%parallel_loop3A_616, %parallel_loop3A_617], %parallel_loop3A_620 {strides = array<i32>} : memref<256x128xf32, #tpu.memory_space<vmem>>, vector<1x16xf32>,
      %parallel_loop3A_621 = arith.constant 32 : i32
      %parallel_loop3A_622 = arith.addi %parallel_loop3A_621, %parallel_loop3A_128 : i32
      %parallel_loop3A_623 = arith.index_cast %parallel_loop3A_622 : i32 to index
      %parallel_loop3A_624 = arith.constant 96 : index
      %parallel_loop3A_625 = tpu.vector_load %arg8[%parallel_loop3A_623, %parallel_loop3A_624] {strides = array<i32>} : memref<64x128xf32, #tpu.memory_space<vmem>>, vector<1x16xf32>,
      %parallel_loop3A_626 = vector.shape_cast %parallel_loop3A_625 : vector<1x16xf32> to vector<16xf32>
      %parallel_loop3A_627 = arith.constant 4 : i32
      %parallel_loop3A_628 = arith.muli %parallel_loop3A_128, %parallel_loop3A_627 : i32
      %parallel_loop3A_629 = arith.constant 128 : i32
      %parallel_loop3A_630 = arith.addi %parallel_loop3A_629, %parallel_loop3A_628 : i32
      %parallel_loop3A_631 = arith.constant 0 : i32
      %parallel_loop3A_632 = arith.addi %parallel_loop3A_630, %parallel_loop3A_631 : i32
      %parallel_loop3A_633 = arith.index_cast %parallel_loop3A_632 : i32 to index
      %parallel_loop3A_634 = arith.constant 96 : index
      %parallel_loop3A_635 = tpu.vector_load %arg7[%parallel_loop3A_633, %parallel_loop3A_634] {strides = array<i32>} : memref<256x128xf32, #tpu.memory_space<vmem>>, vector<1x16xf32>,
      %parallel_loop3A_636 = vector.shape_cast %parallel_loop3A_635 : vector<1x16xf32> to vector<16xf32>
      %parallel_loop3A_637 = arith.constant 11.3137083 : f32
      %parallel_loop3A_638 = vector.broadcast %parallel_loop3A_637 : f32 to vector<16xf32>
      %parallel_loop3A_639 = arith.mulf %parallel_loop3A_636, %parallel_loop3A_638 : vector<16xf32>
      %parallel_loop3A_640 = arith.addf %parallel_loop3A_639, %parallel_loop3A_626 : vector<16xf32>
      %parallel_loop3A_641 = arith.index_cast %parallel_loop3A_632 : i32 to index
      %parallel_loop3A_642 = arith.constant 96 : index
      %parallel_loop3A_643 = tpu.vector_load %arg7[%parallel_loop3A_641, %parallel_loop3A_642] {strides = array<i32>} : memref<256x128xf32, #tpu.memory_space<vmem>>, vector<1x16xf32>,
      %parallel_loop3A_644 = vector.shape_cast %parallel_loop3A_643 : vector<1x16xf32> to vector<16xf32>
      %parallel_loop3A_645 = vector.shape_cast %parallel_loop3A_640 : vector<16xf32> to vector<1x16xf32>
      tpu.vector_store %arg7[%parallel_loop3A_641, %parallel_loop3A_642], %parallel_loop3A_645 {strides = array<i32>} : memref<256x128xf32, #tpu.memory_space<vmem>>, vector<1x16xf32>,
      %parallel_loop3A_646 = arith.constant 4 : i32
      %parallel_loop3A_647 = arith.muli %parallel_loop3A_128, %parallel_loop3A_646 : i32
      %parallel_loop3A_648 = arith.constant 128 : i32
      %parallel_loop3A_649 = arith.addi %parallel_loop3A_648, %parallel_loop3A_647 : i32
      %parallel_loop3A_650 = arith.constant 1 : i32
      %parallel_loop3A_651 = arith.addi %parallel_loop3A_649, %parallel_loop3A_650 : i32
      %parallel_loop3A_652 = arith.index_cast %parallel_loop3A_651 : i32 to index
      %parallel_loop3A_653 = arith.constant 96 : index
      %parallel_loop3A_654 = tpu.vector_load %arg7[%parallel_loop3A_652, %parallel_loop3A_653] {strides = array<i32>} : memref<256x128xf32, #tpu.memory_space<vmem>>, vector<1x16xf32>,
      %parallel_loop3A_655 = vector.shape_cast %parallel_loop3A_654 : vector<1x16xf32> to vector<16xf32>
      %parallel_loop3A_656 = arith.constant 11.3137083 : f32
      %parallel_loop3A_657 = vector.broadcast %parallel_loop3A_656 : f32 to vector<16xf32>
      %parallel_loop3A_658 = arith.mulf %parallel_loop3A_655, %parallel_loop3A_657 : vector<16xf32>
      %parallel_loop3A_659 = arith.addf %parallel_loop3A_658, %parallel_loop3A_626 : vector<16xf32>
      %parallel_loop3A_660 = arith.index_cast %parallel_loop3A_651 : i32 to index
      %parallel_loop3A_661 = arith.constant 96 : index
      %parallel_loop3A_662 = tpu.vector_load %arg7[%parallel_loop3A_660, %parallel_loop3A_661] {strides = array<i32>} : memref<256x128xf32, #tpu.memory_space<vmem>>, vector<1x16xf32>,
      %parallel_loop3A_663 = vector.shape_cast %parallel_loop3A_662 : vector<1x16xf32> to vector<16xf32>
      %parallel_loop3A_664 = vector.shape_cast %parallel_loop3A_659 : vector<16xf32> to vector<1x16xf32>
      tpu.vector_store %arg7[%parallel_loop3A_660, %parallel_loop3A_661], %parallel_loop3A_664 {strides = array<i32>} : memref<256x128xf32, #tpu.memory_space<vmem>>, vector<1x16xf32>,
      %parallel_loop3A_665 = arith.constant 4 : i32
      %parallel_loop3A_666 = arith.muli %parallel_loop3A_128, %parallel_loop3A_665 : i32
      %parallel_loop3A_667 = arith.constant 128 : i32
      %parallel_loop3A_668 = arith.addi %parallel_loop3A_667, %parallel_loop3A_666 : i32
      %parallel_loop3A_669 = arith.constant 2 : i32
      %parallel_loop3A_670 = arith.addi %parallel_loop3A_668, %parallel_loop3A_669 : i32
      %parallel_loop3A_671 = arith.index_cast %parallel_loop3A_670 : i32 to index
      %parallel_loop3A_672 = arith.constant 96 : index
      %parallel_loop3A_673 = tpu.vector_load %arg7[%parallel_loop3A_671, %parallel_loop3A_672] {strides = array<i32>} : memref<256x128xf32, #tpu.memory_space<vmem>>, vector<1x16xf32>,
      %parallel_loop3A_674 = vector.shape_cast %parallel_loop3A_673 : vector<1x16xf32> to vector<16xf32>
      %parallel_loop3A_675 = arith.constant 11.3137083 : f32
      %parallel_loop3A_676 = vector.broadcast %parallel_loop3A_675 : f32 to vector<16xf32>
      %parallel_loop3A_677 = arith.mulf %parallel_loop3A_674, %parallel_loop3A_676 : vector<16xf32>
      %parallel_loop3A_678 = arith.addf %parallel_loop3A_677, %parallel_loop3A_626 : vector<16xf32>
      %parallel_loop3A_679 = arith.index_cast %parallel_loop3A_670 : i32 to index
      %parallel_loop3A_680 = arith.constant 96 : index
      %parallel_loop3A_681 = tpu.vector_load %arg7[%parallel_loop3A_679, %parallel_loop3A_680] {strides = array<i32>} : memref<256x128xf32, #tpu.memory_space<vmem>>, vector<1x16xf32>,
      %parallel_loop3A_682 = vector.shape_cast %parallel_loop3A_681 : vector<1x16xf32> to vector<16xf32>
      %parallel_loop3A_683 = vector.shape_cast %parallel_loop3A_678 : vector<16xf32> to vector<1x16xf32>
      tpu.vector_store %arg7[%parallel_loop3A_679, %parallel_loop3A_680], %parallel_loop3A_683 {strides = array<i32>} : memref<256x128xf32, #tpu.memory_space<vmem>>, vector<1x16xf32>,
      %parallel_loop3A_684 = arith.constant 4 : i32
      %parallel_loop3A_685 = arith.muli %parallel_loop3A_128, %parallel_loop3A_684 : i32
      %parallel_loop3A_686 = arith.constant 128 : i32
      %parallel_loop3A_687 = arith.addi %parallel_loop3A_686, %parallel_loop3A_685 : i32
      %parallel_loop3A_688 = arith.constant 3 : i32
      %parallel_loop3A_689 = arith.addi %parallel_loop3A_687, %parallel_loop3A_688 : i32
      %parallel_loop3A_690 = arith.index_cast %parallel_loop3A_689 : i32 to index
      %parallel_loop3A_691 = arith.constant 96 : index
      %parallel_loop3A_692 = tpu.vector_load %arg7[%parallel_loop3A_690, %parallel_loop3A_691] {strides = array<i32>} : memref<256x128xf32, #tpu.memory_space<vmem>>, vector<1x16xf32>,
      %parallel_loop3A_693 = vector.shape_cast %parallel_loop3A_692 : vector<1x16xf32> to vector<16xf32>
      %parallel_loop3A_694 = arith.constant 11.3137083 : f32
      %parallel_loop3A_695 = vector.broadcast %parallel_loop3A_694 : f32 to vector<16xf32>
      %parallel_loop3A_696 = arith.mulf %parallel_loop3A_693, %parallel_loop3A_695 : vector<16xf32>
      %parallel_loop3A_697 = arith.addf %parallel_loop3A_696, %parallel_loop3A_626 : vector<16xf32>
      %parallel_loop3A_698 = arith.index_cast %parallel_loop3A_689 : i32 to index
      %parallel_loop3A_699 = arith.constant 96 : index
      %parallel_loop3A_700 = tpu.vector_load %arg7[%parallel_loop3A_698, %parallel_loop3A_699] {strides = array<i32>} : memref<256x128xf32, #tpu.memory_space<vmem>>, vector<1x16xf32>,
      %parallel_loop3A_701 = vector.shape_cast %parallel_loop3A_700 : vector<1x16xf32> to vector<16xf32>
      %parallel_loop3A_702 = vector.shape_cast %parallel_loop3A_697 : vector<16xf32> to vector<1x16xf32>
      tpu.vector_store %arg7[%parallel_loop3A_698, %parallel_loop3A_699], %parallel_loop3A_702 {strides = array<i32>} : memref<256x128xf32, #tpu.memory_space<vmem>>, vector<1x16xf32>,
      %parallel_loop3A_703 = arith.constant 32 : i32
      %parallel_loop3A_704 = arith.addi %parallel_loop3A_703, %parallel_loop3A_128 : i32
      %parallel_loop3A_705 = arith.index_cast %parallel_loop3A_704 : i32 to index
      %parallel_loop3A_706 = arith.constant 112 : index
      %parallel_loop3A_707 = tpu.vector_load %arg8[%parallel_loop3A_705, %parallel_loop3A_706] {strides = array<i32>} : memref<64x128xf32, #tpu.memory_space<vmem>>, vector<1x16xf32>,
      %parallel_loop3A_708 = vector.shape_cast %parallel_loop3A_707 : vector<1x16xf32> to vector<16xf32>
      %parallel_loop3A_709 = arith.constant 4 : i32
      %parallel_loop3A_710 = arith.muli %parallel_loop3A_128, %parallel_loop3A_709 : i32
      %parallel_loop3A_711 = arith.constant 128 : i32
      %parallel_loop3A_712 = arith.addi %parallel_loop3A_711, %parallel_loop3A_710 : i32
      %parallel_loop3A_713 = arith.constant 0 : i32
      %parallel_loop3A_714 = arith.addi %parallel_loop3A_712, %parallel_loop3A_713 : i32
      %parallel_loop3A_715 = arith.index_cast %parallel_loop3A_714 : i32 to index
      %parallel_loop3A_716 = arith.constant 112 : index
      %parallel_loop3A_717 = tpu.vector_load %arg7[%parallel_loop3A_715, %parallel_loop3A_716] {strides = array<i32>} : memref<256x128xf32, #tpu.memory_space<vmem>>, vector<1x16xf32>,
      %parallel_loop3A_718 = vector.shape_cast %parallel_loop3A_717 : vector<1x16xf32> to vector<16xf32>
      %parallel_loop3A_719 = arith.constant 11.3137083 : f32
      %parallel_loop3A_720 = vector.broadcast %parallel_loop3A_719 : f32 to vector<16xf32>
      %parallel_loop3A_721 = arith.mulf %parallel_loop3A_718, %parallel_loop3A_720 : vector<16xf32>
      %parallel_loop3A_722 = arith.addf %parallel_loop3A_721, %parallel_loop3A_708 : vector<16xf32>
      %parallel_loop3A_723 = arith.index_cast %parallel_loop3A_714 : i32 to index
      %parallel_loop3A_724 = arith.constant 112 : index
      %parallel_loop3A_725 = tpu.vector_load %arg7[%parallel_loop3A_723, %parallel_loop3A_724] {strides = array<i32>} : memref<256x128xf32, #tpu.memory_space<vmem>>, vector<1x16xf32>,
      %parallel_loop3A_726 = vector.shape_cast %parallel_loop3A_725 : vector<1x16xf32> to vector<16xf32>
      %parallel_loop3A_727 = vector.shape_cast %parallel_loop3A_722 : vector<16xf32> to vector<1x16xf32>
      tpu.vector_store %arg7[%parallel_loop3A_723, %parallel_loop3A_724], %parallel_loop3A_727 {strides = array<i32>} : memref<256x128xf32, #tpu.memory_space<vmem>>, vector<1x16xf32>,
      %parallel_loop3A_728 = arith.constant 4 : i32
      %parallel_loop3A_729 = arith.muli %parallel_loop3A_128, %parallel_loop3A_728 : i32
      %parallel_loop3A_730 = arith.constant 128 : i32
      %parallel_loop3A_731 = arith.addi %parallel_loop3A_730, %parallel_loop3A_729 : i32
      %parallel_loop3A_732 = arith.constant 1 : i32
      %parallel_loop3A_733 = arith.addi %parallel_loop3A_731, %parallel_loop3A_732 : i32
      %parallel_loop3A_734 = arith.index_cast %parallel_loop3A_733 : i32 to index
      %parallel_loop3A_735 = arith.constant 112 : index
      %parallel_loop3A_736 = tpu.vector_load %arg7[%parallel_loop3A_734, %parallel_loop3A_735] {strides = array<i32>} : memref<256x128xf32, #tpu.memory_space<vmem>>, vector<1x16xf32>,
      %parallel_loop3A_737 = vector.shape_cast %parallel_loop3A_736 : vector<1x16xf32> to vector<16xf32>
      %parallel_loop3A_738 = arith.constant 11.3137083 : f32
      %parallel_loop3A_739 = vector.broadcast %parallel_loop3A_738 : f32 to vector<16xf32>
      %parallel_loop3A_740 = arith.mulf %parallel_loop3A_737, %parallel_loop3A_739 : vector<16xf32>
      %parallel_loop3A_741 = arith.addf %parallel_loop3A_740, %parallel_loop3A_708 : vector<16xf32>
      %parallel_loop3A_742 = arith.index_cast %parallel_loop3A_733 : i32 to index
      %parallel_loop3A_743 = arith.constant 112 : index
      %parallel_loop3A_744 = tpu.vector_load %arg7[%parallel_loop3A_742, %parallel_loop3A_743] {strides = array<i32>} : memref<256x128xf32, #tpu.memory_space<vmem>>, vector<1x16xf32>,
      %parallel_loop3A_745 = vector.shape_cast %parallel_loop3A_744 : vector<1x16xf32> to vector<16xf32>
      %parallel_loop3A_746 = vector.shape_cast %parallel_loop3A_741 : vector<16xf32> to vector<1x16xf32>
      tpu.vector_store %arg7[%parallel_loop3A_742, %parallel_loop3A_743], %parallel_loop3A_746 {strides = array<i32>} : memref<256x128xf32, #tpu.memory_space<vmem>>, vector<1x16xf32>,
      %parallel_loop3A_747 = arith.constant 4 : i32
      %parallel_loop3A_748 = arith.muli %parallel_loop3A_128, %parallel_loop3A_747 : i32
      %parallel_loop3A_749 = arith.constant 128 : i32
      %parallel_loop3A_750 = arith.addi %parallel_loop3A_749, %parallel_loop3A_748 : i32
      %parallel_loop3A_751 = arith.constant 2 : i32
      %parallel_loop3A_752 = arith.addi %parallel_loop3A_750, %parallel_loop3A_751 : i32
      %parallel_loop3A_753 = arith.index_cast %parallel_loop3A_752 : i32 to index
      %parallel_loop3A_754 = arith.constant 112 : index
      %parallel_loop3A_755 = tpu.vector_load %arg7[%parallel_loop3A_753, %parallel_loop3A_754] {strides = array<i32>} : memref<256x128xf32, #tpu.memory_space<vmem>>, vector<1x16xf32>,
      %parallel_loop3A_756 = vector.shape_cast %parallel_loop3A_755 : vector<1x16xf32> to vector<16xf32>
      %parallel_loop3A_757 = arith.constant 11.3137083 : f32
      %parallel_loop3A_758 = vector.broadcast %parallel_loop3A_757 : f32 to vector<16xf32>
      %parallel_loop3A_759 = arith.mulf %parallel_loop3A_756, %parallel_loop3A_758 : vector<16xf32>
      %parallel_loop3A_760 = arith.addf %parallel_loop3A_759, %parallel_loop3A_708 : vector<16xf32>
      %parallel_loop3A_761 = arith.index_cast %parallel_loop3A_752 : i32 to index
      %parallel_loop3A_762 = arith.constant 112 : index
      %parallel_loop3A_763 = tpu.vector_load %arg7[%parallel_loop3A_761, %parallel_loop3A_762] {strides = array<i32>} : memref<256x128xf32, #tpu.memory_space<vmem>>, vector<1x16xf32>,
      %parallel_loop3A_764 = vector.shape_cast %parallel_loop3A_763 : vector<1x16xf32> to vector<16xf32>
      %parallel_loop3A_765 = vector.shape_cast %parallel_loop3A_760 : vector<16xf32> to vector<1x16xf32>
      tpu.vector_store %arg7[%parallel_loop3A_761, %parallel_loop3A_762], %parallel_loop3A_765 {strides = array<i32>} : memref<256x128xf32, #tpu.memory_space<vmem>>, vector<1x16xf32>,
      %parallel_loop3A_766 = arith.constant 4 : i32
      %parallel_loop3A_767 = arith.muli %parallel_loop3A_128, %parallel_loop3A_766 : i32
      %parallel_loop3A_768 = arith.constant 128 : i32
      %parallel_loop3A_769 = arith.addi %parallel_loop3A_768, %parallel_loop3A_767 : i32
      %parallel_loop3A_770 = arith.constant 3 : i32
      %parallel_loop3A_771 = arith.addi %parallel_loop3A_769, %parallel_loop3A_770 : i32
      %parallel_loop3A_772 = arith.index_cast %parallel_loop3A_771 : i32 to index
      %parallel_loop3A_773 = arith.constant 112 : index
      %parallel_loop3A_774 = tpu.vector_load %arg7[%parallel_loop3A_772, %parallel_loop3A_773] {strides = array<i32>} : memref<256x128xf32, #tpu.memory_space<vmem>>, vector<1x16xf32>,
      %parallel_loop3A_775 = vector.shape_cast %parallel_loop3A_774 : vector<1x16xf32> to vector<16xf32>
      %parallel_loop3A_776 = arith.constant 11.3137083 : f32
      %parallel_loop3A_777 = vector.broadcast %parallel_loop3A_776 : f32 to vector<16xf32>
      %parallel_loop3A_778 = arith.mulf %parallel_loop3A_775, %parallel_loop3A_777 : vector<16xf32>
      %parallel_loop3A_779 = arith.addf %parallel_loop3A_778, %parallel_loop3A_708 : vector<16xf32>
      %parallel_loop3A_780 = arith.index_cast %parallel_loop3A_771 : i32 to index
      %parallel_loop3A_781 = arith.constant 112 : index
      %parallel_loop3A_782 = tpu.vector_load %arg7[%parallel_loop3A_780, %parallel_loop3A_781] {strides = array<i32>} : memref<256x128xf32, #tpu.memory_space<vmem>>, vector<1x16xf32>,
      %parallel_loop3A_783 = vector.shape_cast %parallel_loop3A_782 : vector<1x16xf32> to vector<16xf32>
      %parallel_loop3A_784 = vector.shape_cast %parallel_loop3A_779 : vector<16xf32> to vector<1x16xf32>
      tpu.vector_store %arg7[%parallel_loop3A_780, %parallel_loop3A_781], %parallel_loop3A_784 {strides = array<i32>} : memref<256x128xf32, #tpu.memory_space<vmem>>, vector<1x16xf32>,
    } {sc.loop_unroll_factor = 4 : i64, sc.parallel_access}
    %dma_start3A_86 = arith.constant 128 : i32
    %dma_start3A_87 = arith.constant 0 : i32
    %dma_start3A_88 = tpu.memref_slice %arg7[%dma_start3A_86, %dma_start3A_87] : memref<256x128xf32, #tpu.memory_space<vmem>> -> memref<128x128xf32, #tpu.memory_space<vmem>>
    %dma_start3A_89 = arith.constant 128 : i32
    %dma_start3A_90 = arith.constant 0 : i32
    %dma_start3A_91 = tpu.memref_slice %arg5[%add3A, %dma_start3A_89, %dma_start3A_90] : memref<32x256x128xf32, #tpu.memory_space<hbm>> -> memref<1x128x128xf32, #tpu.memory_space<hbm>>
    %dma_start3A_92 = tpu.memref_squeeze %dma_start3A_91 : memref<1x128x128xf32, #tpu.memory_space<hbm>> -> memref<128x128xf32, #tpu.memory_space<hbm>>
    %dma_start3A_93 = arith.constant 128 : i32
    %dma_start3A_94 = arith.constant 0 : i32
    %dma_start3A_95 = tpu.memref_slice %arg5[%add3A, %dma_start3A_93, %dma_start3A_94] : memref<32x256x128xf32, #tpu.memory_space<hbm>> -> memref<1x128x128xf32, #tpu.memory_space<hbm>>
    %dma_start3A_96 = tpu.memref_squeeze %dma_start3A_95 : memref<1x128x128xf32, #tpu.memory_space<hbm>> -> memref<128x128xf32, #tpu.memory_space<hbm>>
    %dma_start3A_97 = arith.constant 128 : i32
    %dma_start3A_98 = arith.constant 0 : i32
    %dma_start3A_99 = tpu.memref_slice %arg7[%dma_start3A_97, %dma_start3A_98] : memref<256x128xf32, #tpu.memory_space<vmem>> -> memref<128x128xf32, #tpu.memory_space<vmem>>
    tpu.enqueue_dma source(%dma_start3A_99 : memref<128x128xf32, #tpu.memory_space<vmem>>) target(%dma_start3A_96 : memref<128x128xf32, #tpu.memory_space<hbm>>) target_semaphore(%arg10 : memref<!tpu.dma_semaphore, #tpu.memory_space<semaphore_mem>>)
    %dma_wait3A_100 = arith.constant 0 : i32
    %dma_wait3A_101 = arith.constant 0 : i32
    %dma_wait3A_102 = tpu.memref_slice %arg7[%dma_wait3A_100, %dma_wait3A_101] : memref<256x128xf32, #tpu.memory_space<vmem>> -> memref<128x128xf32, #tpu.memory_space<vmem>>
    %dma_wait3A_103 = arith.constant 0 : i32
    %dma_wait3A_104 = arith.constant 0 : i32
    %dma_wait3A_105 = tpu.memref_slice %arg5[%add3A, %dma_wait3A_103, %dma_wait3A_104] : memref<32x256x128xf32, #tpu.memory_space<hbm>> -> memref<1x128x128xf32, #tpu.memory_space<hbm>>
    %dma_wait3A_106 = tpu.memref_squeeze %dma_wait3A_105 : memref<1x128x128xf32, #tpu.memory_space<hbm>> -> memref<128x128xf32, #tpu.memory_space<hbm>>
    %dma_wait3A_107 = arith.constant 0 : i32
    %dma_wait3A_108 = arith.constant 0 : i32
    %dma_wait3A_109 = tpu.memref_slice %arg5[%add3A, %dma_wait3A_107, %dma_wait3A_108] : memref<32x256x128xf32, #tpu.memory_space<hbm>> -> memref<1x128x128xf32, #tpu.memory_space<hbm>>
    %dma_wait3A_110 = tpu.memref_squeeze %dma_wait3A_109 : memref<1x128x128xf32, #tpu.memory_space<hbm>> -> memref<128x128xf32, #tpu.memory_space<hbm>>
    %dma_wait3A_111 = arith.constant 0 : i32
    %dma_wait3A_112 = arith.constant 0 : i32
    %dma_wait3A_113 = tpu.memref_slice %arg7[%dma_wait3A_111, %dma_wait3A_112] : memref<256x128xf32, #tpu.memory_space<vmem>> -> memref<128x128xf32, #tpu.memory_space<vmem>>
    tpu.wait_dma2 semaphore(%arg10 : memref<!tpu.dma_semaphore, #tpu.memory_space<semaphore_mem>>) src(%dma_wait3A_113 : memref<128x128xf32, #tpu.memory_space<vmem>>) dst(%dma_wait3A_110 : memref<128x128xf32, #tpu.memory_space<hbm>>)
    %dma_wait3A_114 = arith.constant 128 : i32
    %dma_wait3A_115 = arith.constant 0 : i32
    %dma_wait3A_116 = tpu.memref_slice %arg7[%dma_wait3A_114, %dma_wait3A_115] : memref<256x128xf32, #tpu.memory_space<vmem>> -> memref<128x128xf32, #tpu.memory_space<vmem>>
    %dma_wait3A_117 = arith.constant 128 : i32
    %dma_wait3A_118 = arith.constant 0 : i32
    %dma_wait3A_119 = tpu.memref_slice %arg5[%add3A, %dma_wait3A_117, %dma_wait3A_118] : memref<32x256x128xf32, #tpu.memory_space<hbm>> -> memref<1x128x128xf32, #tpu.memory_space<hbm>>
    %dma_wait3A_120 = tpu.memref_squeeze %dma_wait3A_119 : memref<1x128x128xf32, #tpu.memory_space<hbm>> -> memref<128x128xf32, #tpu.memory_space<hbm>>
    %dma_wait3A_121 = arith.constant 128 : i32
    %dma_wait3A_122 = arith.constant 0 : i32
    %dma_wait3A_123 = tpu.memref_slice %arg5[%add3A, %dma_wait3A_121, %dma_wait3A_122] : memref<32x256x128xf32, #tpu.memory_space<hbm>> -> memref<1x128x128xf32, #tpu.memory_space<hbm>>
    %dma_wait3A_124 = tpu.memref_squeeze %dma_wait3A_123 : memref<1x128x128xf32, #tpu.memory_space<hbm>> -> memref<128x128xf32, #tpu.memory_space<hbm>>
    %dma_wait3A_125 = arith.constant 128 : i32
    %dma_wait3A_126 = arith.constant 0 : i32
    %dma_wait3A_127 = tpu.memref_slice %arg7[%dma_wait3A_125, %dma_wait3A_126] : memref<256x128xf32, #tpu.memory_space<vmem>> -> memref<128x128xf32, #tpu.memory_space<vmem>>
    tpu.wait_dma2 semaphore(%arg10 : memref<!tpu.dma_semaphore, #tpu.memory_space<semaphore_mem>>) src(%dma_wait3A_127 : memref<128x128xf32, #tpu.memory_space<vmem>>) dst(%dma_wait3A_124 : memref<128x128xf32, #tpu.memory_space<hbm>>)
    return
  }
}

</mosaic_0001>

<sc_bundles>
// kernel: kernel.3.cloned.1.call-start
scs
__scs_entry_jumppad:
0x0: {  	(pc) =	sbr.rel $0x88, $3  }
0x1: {  	(tag) =	ssettag $0x0;
	lr =	simm.s32 $0x1  }
0x2: {  	[smem:$0x3F9F] =	sst lr;
	_ =	strace $0xD0000000  }
0x3: {  	_ = 	snop  }
0x4: {  	_ = 	snop  }
0x5: {  	_ = 	snop  }
0x6: {  	_ = 	snop  }
0x7: {  	_ = 	snop  }
__scs_overlays_trampoline_lowered:
0x8: {  	[smem:$0x3FAE] =	sst s0  }
0x9: {  	[smem:$0x3FAF] =	sst s1  }
0xa: {  	[smem:$0x3FB0] =	sst s2  }
0xb: {  	[smem:$0x3FB1] =	sst s3  }
0xc: {  	[smem:$0x3FB2] =	sst s4  }
0xd: {  	[smem:$0x3FB3] =	sst s5  }
0xe: {  	[smem:$0x3FB4] =	sst s6  }
0xf: {  	[smem:$0x3FB5] =	sst s7  }
0x10: {  	[smem:$0x3FB6] =	sst s8  }
0x11: {  	[smem:$0x3FB7] =	sst s9;
	s0 =	simm.s32 @!p0 $0x0  }
0x12: {  	s1 =	sld [smem:$0x3F9D];
	s0 =	simm.s32 @p0 $0x1  }
0x13: {  	[smem:$0x3FB8] =	sst s0;
	s0 =	simm.s32 @!p1 $0x0  }
0x14: {  	s2 =	sld [smem:$0x3F9C];
	s0 =	simm.s32 @p1 $0x1  }
0x15: {  	[smem:$0x3FB9] =	sst s0;
	s0 =	simm.s32 @!p2 $0x0  }
0x16: {  	s3 =	sld [smem:$0x3FDB];
	s0 =	simm.s32 @p2 $0x1  }
0x17: {  	s4 =	simm.s32 $0x1BF5;
	[smem:$0x3FBB] =	sst s0  }
0x18: {  	s0 =	sld [smem:$0x3F9E];
	_ =	swait.ge [sflag:s4], $0x0  }
0x19: {  	s7 =	sld [smem:$0x3F9F]  }
0x1a: {  	s8 =	sadd.s32 $0xFFFFE003, lr  }
0x1b: {  	s9 =	sadd.s32 $0xFFFFFEF7, lr;
	s5 =	simm.s32 $0xFFFFFFFF;
	p2 =	slt.u32 s8, $0xFFFFF086  }
0x1c: {  	p1 =	slt.u32 s9, $0xF7A;
	s5 =	simm.s32 @!p2 $0x0  }
0x1d: {  	s5 =	simm.s32 @p1 $0x1;
	p0 =	seq.s32 s7, s2  }
0x1e: {  	s7 =	smul.u32 @!p0 $0xF7A, s2;
	p2 =	seq.s32 @!p0 s5, $0x0  }
0x1f: {  	s9 =	smul.u32 $0xF7A, s1;
	s8 =	simm.s32 @!p0 $0x1BF5;
	p2 =	por !p2, p0  }
0x20: {  	[sflag:s8] =	ssyncset.s32 @!p0 $0xFFFFF086;
	s6 =	sadd.s32 @!p0 s3, s7;
	s7 =	simm.s32 @!p0 $0x108  }
0x21: {  	s3 =	sadd.s32 s3, s9;
	s6 =	sadd.s32 @!p0 $0x88, s6;
	s7 =	simm.s32 @p2 $0x1082  }
0x22: {  	[simem:s7], [sflag:s8] =	dma.local @!p0 [hbm:s6], $0xF7A  }
0x23: {  	s9 =	sor.u32 $0xD0000000, s2;
	s6 =	simm.s32 $0x108;
	_ =	swait.ge @!p0 [sflag:s8], $0x0  }
0x24: {  	s3 =	sadd.s32 $0x88, s3;
	s6 =	simm.s32 @!p1 $0x1082;
	[sflag:s4] =	ssyncset.s32 $0xFFFFF086  }
0x25: {  	[simem:s6], [sflag:s4] =	dma.local [hbm:s3], $0xF7A  }
0x26: {  	[smem:$0x3F9F] =	sst s1;
	(tag) =	ssettag s2;
	_ =	strace s9  }
0x27: {  	s1 =	sld [smem:$0x3FAF]  }
0x28: {  	s2 =	sld [smem:$0x3FB0]  }
0x29: {  	s4 =	sld [smem:$0x3FB2]  }
0x2a: {  	p0 =	seq.s32 s5, $0x0;
	s5 =	sld [smem:$0x3FB3]  }
0x2b: {  	s6 =	sld [smem:$0x3FB4]  }
0x2c: {  	s7 =	sld [smem:$0x3FB5]  }
0x2d: {  	s3 =	simm.s32 $0x108;
	s8 =	sld [smem:$0x3FB6]  }
0x2e: {  	s3 =	simm.s32 @!p0 $0x1082;
	s9 =	sld [smem:$0x3FB7]  }
0x2f: {  	lr =	sadd.s32 s0, s3;
	s0 =	sld [smem:$0x3FAE]  }
0x30: {  	s3 =	sld [smem:$0x3FB1]  }
0x31: {  	[smem:$0x3FBA] =	sst s10  }
0x32: {  	s10 =	sld [smem:$0x3FB8];
	_ =	sdelay $0x3  }
0x33: {  	p0 =	seq.s32 s10, $0x1;
	s10 =	sld [smem:$0x3FBA];
	_ =	sdelay $0x3  }
0x34: {  	[smem:$0x3FBA] =	sst s10  }
0x35: {  	s10 =	sld [smem:$0x3FB9];
	_ =	sdelay $0x3  }
0x36: {  	p1 =	seq.s32 s10, $0x1;
	s10 =	sld [smem:$0x3FBA];
	_ =	sdelay $0x3  }
0x37: {  	[smem:$0x3FBA] =	sst s10  }
0x38: {  	s10 =	sld [smem:$0x3FBB]  }
0x39: {  	_ = 	snop;
	(pc) =	sbr.ind lr, $3  }
0x3a: {  	_ = 	snop  }
0x3b: {  	_ = 	snop  }
0x3c: {  	p2 =	seq.s32 s10, $0x1;
	s10 =	sld [smem:$0x3FBA]  }
0x3d: {  	_ =	shalt  }
0x3e: {  	_ =	shalt  }
0x3f: {  	_ =	shalt  }
0x40: {  	_ =	shalt  }
0x41: {  	_ =	shalt  }
0x42: {  	_ =	shalt  }
0x43: {  	_ =	shalt  }
0x44: {  	_ =	shalt  }
0x45: {  	_ =	shalt  }
0x46: {  	_ =	shalt  }
0x47: {  	_ =	shalt  }
0x48: {  	_ =	shalt  }
0x49: {  	_ =	shalt  }
0x4a: {  	_ =	shalt  }
0x4b: {  	_ =	shalt  }
0x4c: {  	_ =	shalt  }
0x4d: {  	_ =	shalt  }
0x4e: {  	_ =	shalt  }
0x4f: {  	_ =	shalt  }
0x50: {  	_ =	shalt  }
0x51: {  	_ =	shalt  }
0x52: {  	_ =	shalt  }
0x53: {  	_ =	shalt  }
0x54: {  	_ =	shalt  }
0x55: {  	_ =	shalt  }
0x56: {  	_ =	shalt  }
0x57: {  	_ =	shalt  }
0x58: {  	_ =	shalt  }
0x59: {  	_ =	shalt  }
0x5a: {  	_ =	shalt  }
0x5b: {  	_ =	shalt  }
0x5c: {  	_ =	shalt  }
0x5d: {  	_ =	shalt  }
0x5e: {  	_ =	shalt  }
0x5f: {  	_ =	shalt  }
0x60: {  	_ =	shalt  }
0x61: {  	_ =	shalt  }
0x62: {  	_ =	shalt  }
0x63: {  	_ =	shalt  }
0x64: {  	_ =	shalt  }
0x65: {  	_ =	shalt  }
0x66: {  	_ =	shalt  }
0x67: {  	_ =	shalt  }
0x68: {  	_ =	shalt  }
0x69: {  	_ =	shalt  }
0x6a: {  	_ =	shalt  }
0x6b: {  	_ =	shalt  }
0x6c: {  	_ =	shalt  }
0x6d: {  	_ =	shalt  }
0x6e: {  	_ =	shalt  }
0x6f: {  	_ =	shalt  }
0x70: {  	_ =	shalt  }
0x71: {  	_ =	shalt  }
0x72: {  	_ =	shalt  }
0x73: {  	_ =	shalt  }
0x74: {  	_ =	shalt  }
0x75: {  	_ =	shalt  }
0x76: {  	_ =	shalt  }
0x77: {  	_ =	shalt  }
0x78: {  	_ =	shalt  }
0x79: {  	_ =	shalt  }
0x7a: {  	_ =	shalt  }
0x7b: {  	_ =	shalt  }
0x7c: {  	_ =	shalt  }
0x7d: {  	_ =	shalt  }
0x7e: {  	_ =	shalt  }
0x7f: {  	_ =	shalt  }
0x80: {  	_ =	shalt  }
0x81: {  	_ =	shalt  }
0x82: {  	_ =	shalt  }
0x83: {  	_ =	shalt  }
0x84: {  	_ =	shalt  }
0x85: {  	_ =	shalt  }
0x86: {  	_ =	shalt  }
0x87: {  	_ =	shalt  }
.Lfunc_end0:
.L_simem_size_0:
called_computation_lowered:
.L_overlay_start_0:
0x88: {  	s2 =	sld [smem:$0x3FD9]  }
0x89: {  	s3 =	sld [smem:$0x3FFE];
	_ =	sdelay $0x1  }
0x8a: {  	s1 =	srdreg.scid  }
0x8b: {  	s0 =	sand.u32 $0x1, s1  }
0x8c: {  	s17 =	sshll.u32 s0, $0xA;
	s2 =	sadd.s32 s3, s2  }
0x8d: {  	s2 =	sadd.s32 s2, s17  }
0x8e: {  	[smem:$0x3FC6] =	sst s2  }
0x8f: {  	_ = 	snop  }
0x90: {  	s2 =	sld [smem:$0x3FC8]  }
0x91: {  	s18 =	sld [smem:$0x3FD0];
	(tm) =	ssettm $0x1  }
0x92: {  	s4 =	sld [smem:$0x3FFB];
	_ =	sdelay $0x3  }
0x93: {  	_ =	strace s4  }
0x94: {  	s4 =	sld [smem:$0x3FFC];
	_ =	sdelay $0x3  }
0x95: {  	_ =	strace s4  }
0x96: {  	s4 =	sld [smem:$0x3FFD];
	_ =	sdelay $0x3  }
0x97: {  	_ =	strace s4  }
0x98: {  	_ =	strace $0x8FFFFFFF  }
0x99: {  	s19 =	sld [smem:$0x3FDB];
	_ =	sdelay $0x1  }
0x9a: {  	s5 =	simm.s32 $_scs_section_size  }
0x9b: {  	s6 =	simm.s32 $_size__tile_overlayer_lowered;
	s7 =	simm.s32 $_tile_overlayer_lowered  }
0x9c: {  	s22 =	simm.s32 $0x1BFF;
	s21 =	sshll.u32 s7, $0x1;
	s4 =	sadd.s32 s5, s19  }
0x9d: {  	s8 =	simm.s32 $0x0;
	s20 =	sshll.u32 s6, $0x1;
	s6 =	sadd.s32 s21, s4  }
0x9e: {  	[timem:s8], [sflag:s22] =	dma.local [hbm:s6], s20  }
0x9f: {  	_ =	swait.ge [sflag:s22], s20  }
0xa0: {  	s5 =	ssub.s32 $0x0, s20;
	[sflag:s22] =	ssyncset.done $0x0  }
0xa1: {  	[sflag:s22] =	ssyncadd.s32 s5;
	_ =	sdelay $0x1  }
0xa2: {  	s23 =	simm.s32 $0x1B8B  }
0xa3: {  	_ =	swait.ge [sflag:s23], $0x1  }
0xa4: {  	[sflag:s23] =	ssyncset.done $0x0  }
0xa5: {  	s25 =	simm.s32 $0x1B8E;
	s24 =	sld [smem:$0x3FFE];
	[sflag:s23] =	ssyncadd.s32 $0xFFFFFFFF  }
0xa6: {  	s26 =	simm.s32 $execute0_lowered;
	[smem:$0x3FD2] =	sst s25  }
0xa7: {  	s6 =	sshll.u32 s26, $0x1;
	_ =	strace $0x80000046;
	[dreg:$0x1] =	wrdreg $0xFFFFFFFF  }
0xa8: {  	s28 =	simm.s32 $_size_execute0_lowered;
	s4 =	sadd.s32 s4, s6;
	[dreg:$0x0] =	wrdreg $0x0  }
0xa9: {  	s6 =	sshll.u32 s28, $0x1;
	[dreg:$0x2] =	wrdreg s4  }
0xaa: {  	[dreg:$0x3] =	wrdreg s6  }
0xab: {  	[dreg:$0x4] =	wrdreg $0xC0  }
0xac: {  	_ =	task [dreg:s8], $0x5FFFF  }
0xad: {  	[dreg:$0x1] =	wrdreg $0xFFFFFFFF  }
0xae: {  	[dreg:$0x0] =	wrdreg $0x60  }
0xaf: {  	[dreg:$0x2] =	wrdreg s24  }
0xb0: {  	[dreg:$0x3] =	wrdreg s2  }
0xb1: {  	[dreg:$0x4] =	wrdreg s18  }
0xb2: {  	[dreg:$0x5] =	wrdreg $0x9  }
0xb3: {  	_ =	task.clear_ibuf [dreg:s8], $0x6FFFF;
	_ =	strace $0x90000046  }
0xb4: {  	s29 =	simm.s32 $0x9;
	_ =	strace $0x80000048  }
0xb5: {  	_ =	swait.ge [sflag:s29], $0x1  }
0xb6: {  	[sflag:s29] =	ssyncadd.s32 $0xFFFFFFFF  }
0xb7: {  	_ =	strace $0x90000048  }
0xb8: {  	_ =	sfence  }
0xb9: {  	s30 =	sld [smem:$0x0];
	_ =	sdelay $0x2  }
0xba: {  	s31 =	sshll.u32 s1, $0xD;
	s1 =	sshrl.u32 s1, $0x2  }
0xbb: {  	s3 =	sand.u32 $0x4000, s31;
	s1 =	sadd.s32 s1, s30  }
0xbc: {  	s0 =	sor.u32 s3, s0;
	s1 =	sshll.u32 s1, $0x11  }
0xbd: {  	s0 =	sor.u32 s1, s0  }
0xbe: {  	s0 =	sadd.s32 $0x8F2B, s0  }
0xbf: {  	[sflag:s0] =	ssyncadd.remote.s32 $0x1  }
0xc0: {  	_ =	sfence.sel $0xFFFF  }
0xc1: {  	[dreg:$0x0] =	wrdreg $0xFFFFFFFF;
	(pc) =	sbr.abs _section_cstart, $3  }
0xc2: {  	[dreg:$0x1] =	wrdreg $0xFFFFFFFF  }
0xc3: {  	_ =	task.clear_ibuf [dreg:s8], $0x2FFFF;
	_ =	strace $0x9FFFFFFF  }
0xc4: {  	(tm) =	ssettm $0x7FFFFFFF  }
0xc5: {  	_ =	shalt  }
tec
execute0_lowered:
.L_overlay_start_1:
0x0: {  	(tag) =	ssettag $0x1  }
0x1: {  	s4 =	rddreg [dreg:$0x0]  }
0x2: {  	s2 =	rddreg [dreg:$0x1]  }
0x3: {  	s1 =	srdreg.scid;
	s0 =	stileid.u32  }
0x4: {  	s6 =	rddreg [dreg:$0x2];
	s3 =	simm.s32 $0x0;
	s10 =	simm.s32 $0x5  }
0x5: {  	s11 =	simm.s32 $0x80;
	s12 =	simm.s32 $0x100;
	s13 =	simm.s32 $0x4100  }
0x6: {  	s14 =	simm.s32 $0x4;
	s15 =	simm.s32 $0x1;
	s16 =	simm.s32 $0x2  }
0x7: {  	s17 =	simm.s32 $0x3;
	s5 =	sand.u32 $0x1, s1;
	s1 =	rddreg [dreg:$0x3]  }
0x8: {  	s18 =	simm.s32 $0x0;
	s7 =	sshll.u32 s0, $0x1;
	[smem:$0x7FF] =	sst s3  }
0x9: {  	s7 =	sor.u32 s5, s7;
	s5 =	ssub.s32 $0x2, s5;
	_ =	strace $0x80000047  }
0xa: {  	s8 =	sshll.u32 s7, $0x5;
	s9 =	sshrl.u32 s5, $0x1;
	s31 =	sshll.u32 s7, $0xA  }
0xb: {  	s7 =	sshll.u32 s7, $0xC;
	s8 =	sadd.s32 s8, s4;
	s9 =	ssub.s32 s5, s9  }
0xc: {  	s4 =	sadd.s32 s4, s31;
	s6 =	sadd.s32 s6, s7;
	s5 =	sadd.s32 $0x8000, s8  }
0xd: {  	s7 =	sadd.s32 $0x800, s6;
	s8 =	smax.u32 s9, $0x1;
	s9 =	simm.s32 $0x8100  }
.LBB2_1:
0xe: {  	[tilespmem:s9], [sflag:$0x4] =	stream.linear.gather [hbm4b:s4+s3], $0x2000, $0x38;
	[tilespmem:$0xA100] =	vst v63  }
0xf: {  	_ = 	snop  }
0x10: {  	[tilespmem:s3], [sflag:$0x5] =	stream.linear.gather [hbm4b:s5+s3], $0x100, $0x38;
	[tilespmem:$0xA100] =	vst v63  }
0x11: {  	_ =	swait.ge [sflag:s10], $0x100  }
0x12: {  	[sflag:s10] =	ssyncset.done $0x0  }
0x13: {  	[sflag:s10] =	ssyncadd.s32 $0xFFFFFF00  }
0x14: {  	[tilespmem:s12], [sflag:$0x1] =	stream.indirect.gather [hbm4b:s2+s11], $0x80, s3, s11, $0xb8;
	[tilespmem:$0xA100] =	vst v63  }
0x15: {  	_ = 	snop  }
0x16: {  	[tilespmem:s13], [sflag:$0x2] =	stream.indirect.gather [hbm4b:s2+s11], $0x80, s11, s11, $0xb8;
	[tilespmem:$0xA100] =	vst v63  }
0x17: {  	_ =	swait.ge [sflag:s14], $0x2000  }
0x18: {  	[sflag:s14] =	ssyncset.done $0x0  }
0x19: {  	[sflag:s14] =	ssyncadd.s32 $0xFFFFE000  }
0x1a: {  	_ =	swait.ge [sflag:s15], $0x4000  }
0x1b: {  	[sflag:s15] =	ssyncset.done $0x0  }
0x1c: {  	s19 =	simm.s32 $0x0;
	[sflag:s15] =	ssyncadd.s32 $0xFFFFC000  }
.LBB2_2:
0x1d: {  	s25 =	sshll.u32 s19, $0x9  }
0x1e: {  	s22 =	sshra.s32 s25, $0x2  }
0x1f: {  	s20 =	sand.u32 $0x3FFFFE00, s25;
	v0 =	vld [tilespmem:s22+$0x8100]  }
0x20: {  	v1 =	vld [tilespmem:s20+$0x100]  }
0x21: {  	v2 =	vld [tilespmem:s20+$0x180]  }
0x22: {  	v3 =	vld [tilespmem:s20+$0x200]  }
0x23: {  	v4 =	vld [tilespmem:s20+$0x280]  }
0x24: {  	v34 =	vld [tilespmem:s20+$0x110]  }
0x25: {  	v35 =	vld [tilespmem:s20+$0x190]  }
0x26: {  	v36 =	vld [tilespmem:s20+$0x210]  }
0x27: {  	v37 =	vld [tilespmem:s20+$0x290]  }
0x28: {  	v39 =	vld [tilespmem:s20+$0x120]  }
0x29: {  	v40 =	vld [tilespmem:s20+$0x1A0]  }
0x2a: {  	v41 =	vld [tilespmem:s20+$0x220]  }
0x2b: {  	v42 =	vld [tilespmem:s20+$0x2A0]  }
0x2c: {  	v50 =	vld [tilespmem:s20+$0x130]  }
0x2d: {  	v52 =	vld [tilespmem:s20+$0x1B0]  }
0x2e: {  	v54 =	vld [tilespmem:s20+$0x230]  }
0x2f: {  	v55 =	vld [tilespmem:s20+$0x2B0]  }
0x30: {  	v12 =	vld [tilespmem:s20+$0x140]  }
0x31: {  	v14 =	vld [tilespmem:s20+$0x1C0]  }
0x32: {  	v15 =	vld [tilespmem:s20+$0x240]  }
0x33: {  	s21 =	sor.u32 $0x200, s25;
	v16 =	vld [tilespmem:s20+$0x2C0];
	v1 =	vmul.f32 $1.131370830e+01, v1  }
0x34: {  	s23 =	sshra.s32 s21, $0x2;
	v28 =	vld [tilespmem:s20+$0x150];
	v2 =	vmul.f32 $1.131370830e+01, v2  }
0x35: {  	s21 =	sand.u32 $0x3FFFFE00, s21;
	v5 =	vld [tilespmem:s23+$0x8100];
	v3 =	vmul.f32 $1.131370830e+01, v3;
	v1 =	vadd.f32 v1, v0  }
0x36: {  	v6 =	vld [tilespmem:s21+$0x100];
	v4 =	vmul.f32 $1.131370830e+01, v4;
	v2 =	vadd.f32 v2, v0  }
0x37: {  	v7 =	vld [tilespmem:s21+$0x180];
	v33 =	vadd.f32 v3, v0;
	[tilespmem:s20+$0x100] =	vst v1  }
0x38: {  	v8 =	vld [tilespmem:s21+$0x200];
	v0 =	vadd.f32 v4, v0;
	[tilespmem:s20+$0x180] =	vst v2  }
0x39: {  	v9 =	vld [tilespmem:s21+$0x280];
	[tilespmem:s20+$0x200] =	vst v33  }
0x3a: {  	v57 =	vld [tilespmem:s21+$0x110];
	[tilespmem:s20+$0x280] =	vst v0  }
0x3b: {  	v0 =	vld [tilespmem:s22+$0x8110]  }
0x3c: {  	v58 =	vld [tilespmem:s21+$0x190]  }
0x3d: {  	v59 =	vld [tilespmem:s21+$0x210]  }
0x3e: {  	v60 =	vld [tilespmem:s21+$0x290];
	v1 =	vmul.f32 $1.131370830e+01, v34  }
0x3f: {  	v17 =	vld [tilespmem:s21+$0x120];
	v2 =	vmul.f32 $1.131370830e+01, v35  }
0x40: {  	v18 =	vld [tilespmem:s21+$0x1A0];
	v3 =	vmul.f32 $1.131370830e+01, v36;
	v1 =	vadd.f32 v1, v0  }
0x41: {  	v19 =	vld [tilespmem:s21+$0x220];
	v4 =	vmul.f32 $1.131370830e+01, v37;
	v2 =	vadd.f32 v2, v0  }
0x42: {  	v20 =	vld [tilespmem:s21+$0x2A0];
	v38 =	vadd.f32 v3, v0;
	[tilespmem:s20+$0x110] =	vst v1  }
0x43: {  	v29 =	vld [tilespmem:s21+$0x130];
	v0 =	vadd.f32 v4, v0;
	[tilespmem:s20+$0x190] =	vst v2  }
0x44: {  	v30 =	vld [tilespmem:s21+$0x1B0];
	[tilespmem:s20+$0x210] =	vst v38  }
0x45: {  	v31 =	vld [tilespmem:s21+$0x230];
	[tilespmem:s20+$0x290] =	vst v0  }
0x46: {  	s24 =	sor.u32 $0x400, s25;
	s25 =	sor.u32 $0x600, s25;
	v44 =	vmul.f32 $1.131370830e+01, v6;
	v0 =	vld [tilespmem:s22+$0x8120]  }
0x47: {  	s28 =	sshra.s32 s25, $0x2;
	v32 =	vld [tilespmem:s21+$0x2B0];
	v47 =	vmul.f32 $1.131370830e+01, v8  }
0x48: {  	s26 =	sshra.s32 s24, $0x2;
	s24 =	sand.u32 $0x3FFFFE00, s24;
	v49 =	vmul.f32 $1.131370830e+01, v9;
	v6 =	vmul.f32 $1.131370830e+01, v12;
	v12 =	vld [tilespmem:s28+$0x8100];
	v46 =	vadd.f32 v44, v5  }
0x49: {  	s25 =	sand.u32 $0x3FFFFE00, s25;
	v10 =	vmul.f32 $1.131370830e+01, v59;
	v59 =	vld [tilespmem:s24+$0x110];
	v51 =	vadd.f32 v47, v5;
	v1 =	vmul.f32 $1.131370830e+01, v39  }
0x4a: {  	v23 =	vmul.f32 $1.131370830e+01, v19;
	v19 =	vld [tilespmem:s25+$0x110];
	v53 =	vadd.f32 v49, v5;
	[tilespmem:s21+$0x100] =	vst v46;
	v2 =	vmul.f32 $1.131370830e+01, v40  }
0x4b: {  	v47 =	vld [tilespmem:s20+$0x1D0];
	[tilespmem:s21+$0x200] =	vst v51;
	v3 =	vmul.f32 $1.131370830e+01, v41;
	v1 =	vadd.f32 v1, v0  }
0x4c: {  	v49 =	vld [tilespmem:s20+$0x250];
	[tilespmem:s21+$0x280] =	vst v53;
	v4 =	vmul.f32 $1.131370830e+01, v42;
	v2 =	vadd.f32 v2, v0  }
0x4d: {  	v45 =	vmul.f32 $1.131370830e+01, v7;
	v35 =	vld [tilespmem:s24+$0x180];
	v43 =	vadd.f32 v3, v0;
	[tilespmem:s20+$0x120] =	vst v1  }
0x4e: {  	v38 =	vld [tilespmem:s25+$0x100];
	v0 =	vadd.f32 v4, v0;
	[tilespmem:s20+$0x1A0] =	vst v2  }
0x4f: {  	v33 =	vld [tilespmem:s26+$0x8100];
	[tilespmem:s20+$0x220] =	vst v43;
	v1 =	vadd.f32 v45, v5  }
0x50: {  	v34 =	vld [tilespmem:s24+$0x100];
	[tilespmem:s20+$0x2A0] =	vst v0  }
0x51: {  	v48 =	vld [tilespmem:s22+$0x8130];
	[tilespmem:s21+$0x180] =	vst v1  }
0x52: {  	v1 =	vld [tilespmem:s23+$0x8110]  }
0x53: {  	v46 =	vld [tilespmem:s25+$0x280];
	v39 =	vmul.f32 $1.131370830e+01, v35;
	v51 =	vmul.f32 $1.131370830e+01, v38  }
0x54: {  	v56 =	vmul.f32 $1.131370830e+01, v50;
	v61 =	vmul.f32 $1.131370830e+01, v57;
	v40 =	vld [tilespmem:s25+$0x180]  }
0x55: {  	v44 =	vadd.f32 v39, v33;
	v39 =	vld [tilespmem:s24+$0x220];
	v0 =	vmul.f32 $1.131370830e+01, v55;
	v55 =	vadd.f32 v51, v12  }
0x56: {  	v62 =	vmul.f32 $1.131370830e+01, v58;
	v43 =	vld [tilespmem:s25+$0x200];
	v5 =	vadd.f32 v56, v48  }
0x57: {  	v2 =	vmul.f32 $1.131370830e+01, v52;
	v52 =	vld [tilespmem:s20+$0x2D0];
	[tilespmem:s25+$0x100] =	vst v55;
	v63 =	vadd.f32 v61, v1  }
0x58: {  	v11 =	vmul.f32 $1.131370830e+01, v60;
	v51 =	vld [tilespmem:s25+$0x1A0];
	[tilespmem:s20+$0x130] =	vst v5;
	v3 =	vadd.f32 v62, v1  }
0x59: {  	v13 =	vadd.f32 v10, v1;
	v10 =	vld [tilespmem:s24+$0x200];
	[tilespmem:s21+$0x110] =	vst v63  }
0x5a: {  	v1 =	vadd.f32 v11, v1;
	v11 =	vld [tilespmem:s24+$0x280];
	[tilespmem:s21+$0x190] =	vst v3  }
0x5b: {  	v4 =	vmul.f32 $1.131370830e+01, v54;
	v55 =	vld [tilespmem:s25+$0x2A0];
	v2 =	vadd.f32 v2, v48;
	[tilespmem:s21+$0x210] =	vst v13  }
0x5c: {  	v37 =	vmul.f32 $1.131370830e+01, v34;
	v0 =	vadd.f32 v0, v48;
	v61 =	vld [tilespmem:s24+$0x190];
	[tilespmem:s21+$0x290] =	vst v1  }
0x5d: {  	v4 =	vadd.f32 v4, v48;
	[tilespmem:s20+$0x1B0] =	vst v2;
	v1 =	vld [tilespmem:s23+$0x8120]  }
0x5e: {  	v41 =	vadd.f32 v37, v33;
	[tilespmem:s20+$0x2B0] =	vst v0;
	v0 =	vmul.f32 $1.131370830e+01, v16;
	v16 =	vld [tilespmem:s24+$0x290];
	v42 =	vmul.f32 $1.131370830e+01, v10  }
0x5f: {  	[tilespmem:s20+$0x230] =	vst v4;
	v2 =	vmul.f32 $1.131370830e+01, v14;
	v14 =	vld [tilespmem:s21+$0x140];
	v45 =	vmul.f32 $1.131370830e+01, v11  }
0x60: {  	[tilespmem:s24+$0x100] =	vst v41;
	v5 =	vmul.f32 $1.131370830e+01, v17;
	v4 =	vld [tilespmem:s22+$0x8140];
	v48 =	vadd.f32 v42, v33  }
0x61: {  	v21 =	vmul.f32 $1.131370830e+01, v18;
	[tilespmem:s24+$0x180] =	vst v44;
	v63 =	vld [tilespmem:s24+$0x210];
	v50 =	vadd.f32 v45, v33  }
0x62: {  	v25 =	vmul.f32 $1.131370830e+01, v20;
	v13 =	vld [tilespmem:s25+$0x190];
	v22 =	vadd.f32 v5, v1;
	[tilespmem:s24+$0x200] =	vst v48  }
0x63: {  	v10 =	vmul.f32 $1.131370830e+01, v59;
	v59 =	vmul.f32 $1.131370830e+01, v51;
	v51 =	vld [tilespmem:s25+$0x140];
	v24 =	vadd.f32 v21, v1;
	[tilespmem:s24+$0x280] =	vst v50  }
0x64: {  	v33 =	vld [tilespmem:s24+$0x120];
	v26 =	vadd.f32 v23, v1;
	[tilespmem:s21+$0x120] =	vst v22  }
0x65: {  	v56 =	vmul.f32 $1.131370830e+01, v43;
	v42 =	vld [tilespmem:s24+$0x2A0];
	v27 =	vadd.f32 v25, v1;
	[tilespmem:s21+$0x1A0] =	vst v24  }
0x66: {  	v0 =	vadd.f32 v0, v4;
	v21 =	vld [tilespmem:s25+$0x210];
	[tilespmem:s21+$0x220] =	vst v26  }
0x67: {  	v60 =	vadd.f32 v56, v12;
	v3 =	vmul.f32 $1.131370830e+01, v15;
	[tilespmem:s21+$0x2A0] =	vst v27;
	v57 =	vld [tilespmem:s26+$0x8110]  }
0x68: {  	v6 =	vadd.f32 v6, v4;
	[tilespmem:s20+$0x2C0] =	vst v0;
	v0 =	vld [tilespmem:s23+$0x8130]  }
0x69: {  	v58 =	vmul.f32 $1.131370830e+01, v46;
	[tilespmem:s25+$0x200] =	vst v60;
	v3 =	vadd.f32 v3, v4;
	v23 =	vld [tilespmem:s25+$0x290]  }
0x6a: {  	v2 =	vadd.f32 v2, v4;
	[tilespmem:s20+$0x140] =	vst v6;
	v25 =	vld [tilespmem:s21+$0x1C0]  }
0x6b: {  	v62 =	vadd.f32 v58, v12;
	[tilespmem:s20+$0x240] =	vst v3;
	v3 =	vmul.f32 $1.131370830e+01, v29;
	v29 =	vld [tilespmem:s21+$0x2C0]  }
0x6c: {  	v4 =	vmul.f32 $1.131370830e+01, v30;
	[tilespmem:s20+$0x1C0] =	vst v2;
	v2 =	vmul.f32 $1.131370830e+01, v16;
	v16 =	vld [tilespmem:s24+$0x130];
	v20 =	vadd.f32 v10, v57  }
0x6d: {  	[tilespmem:s25+$0x280] =	vst v62;
	v5 =	vmul.f32 $1.131370830e+01, v31;
	v1 =	vld [tilespmem:s22+$0x8150];
	v3 =	vadd.f32 v3, v0  }
0x6e: {  	v6 =	vmul.f32 $1.131370830e+01, v32;
	v48 =	vld [tilespmem:s25+$0x120];
	v4 =	vadd.f32 v4, v0;
	[tilespmem:s24+$0x110] =	vst v20  }
0x6f: {  	v9 =	vmul.f32 $1.131370830e+01, v63;
	v27 =	vld [tilespmem:s21+$0x240];
	v36 =	vadd.f32 v5, v0;
	[tilespmem:s21+$0x130] =	vst v3  }
0x70: {  	v8 =	vmul.f32 $1.131370830e+01, v42;
	v42 =	vld [tilespmem:s24+$0x240];
	v0 =	vadd.f32 v6, v0;
	[tilespmem:s21+$0x1B0] =	vst v4  }
0x71: {  	v53 =	vmul.f32 $1.131370830e+01, v40;
	v31 =	vmul.f32 $1.131370830e+01, v21;
	v21 =	vld [tilespmem:s24+$0x2B0];
	v24 =	vadd.f32 v9, v57;
	[tilespmem:s21+$0x230] =	vst v36  }
0x72: {  	v15 =	vmul.f32 $1.131370830e+01, v28;
	v38 =	vmul.f32 $1.131370830e+01, v25;
	v25 =	vld [tilespmem:s25+$0x230];
	v2 =	vadd.f32 v2, v57;
	[tilespmem:s21+$0x2B0] =	vst v0  }
0x73: {  	v5 =	vmul.f32 $1.131370830e+01, v49;
	[tilespmem:s24+$0x210] =	vst v24;
	v3 =	vadd.f32 v53, v12;
	v54 =	vld [tilespmem:s23+$0x8140]  }
0x74: {  	v17 =	vmul.f32 $1.131370830e+01, v47;
	v41 =	vmul.f32 $1.131370830e+01, v27;
	v27 =	vld [tilespmem:s21+$0x150];
	[tilespmem:s24+$0x290] =	vst v2;
	v0 =	vadd.f32 v15, v1  }
0x75: {  	v20 =	vld [tilespmem:s24+$0x230];
	v4 =	vmul.f32 $1.131370830e+01, v61;
	v5 =	vadd.f32 v5, v1;
	[tilespmem:s25+$0x180] =	vst v3  }
0x76: {  	v35 =	vmul.f32 $1.131370830e+01, v14;
	v24 =	vld [tilespmem:s25+$0x1B0];
	v3 =	vadd.f32 v17, v1;
	[tilespmem:s20+$0x150] =	vst v0  }
0x77: {  	v22 =	vadd.f32 v4, v57;
	[tilespmem:s20+$0x250] =	vst v5;
	v18 =	vld [tilespmem:s28+$0x8110]  }
0x78: {  	v36 =	vld [tilespmem:s24+$0x1A0];
	[tilespmem:s20+$0x1D0] =	vst v3;
	v40 =	vadd.f32 v35, v54  }
0x79: {  	v44 =	vmul.f32 $1.131370830e+01, v29;
	v4 =	vmul.f32 $1.131370830e+01, v23;
	v23 =	vld [tilespmem:s25+$0x130];
	[tilespmem:s24+$0x190] =	vst v22;
	v43 =	vadd.f32 v38, v54  }
0x7a: {  	v28 =	vmul.f32 $1.131370830e+01, v13;
	v26 =	vmul.f32 $1.131370830e+01, v19;
	v5 =	vld [tilespmem:s20+$0x160];
	v46 =	vadd.f32 v41, v54;
	[tilespmem:s21+$0x140] =	vst v40  }
0x7b: {  	v53 =	vmul.f32 $1.131370830e+01, v39;
	v39 =	vmul.f32 $1.131370830e+01, v27;
	v27 =	vld [tilespmem:s24+$0x250];
	v49 =	vadd.f32 v44, v54;
	[tilespmem:s21+$0x1C0] =	vst v43  }
0x7c: {  	v32 =	vld [tilespmem:s26+$0x8120];
	v30 =	vadd.f32 v26, v18;
	[tilespmem:s21+$0x240] =	vst v46  }
0x7d: {  	v54 =	vld [tilespmem:s25+$0x220];
	v0 =	vadd.f32 v28, v18;
	[tilespmem:s21+$0x2C0] =	vst v49  }
0x7e: {  	v7 =	vmul.f32 $1.131370830e+01, v52;
	v29 =	vmul.f32 $1.131370830e+01, v23;
	v23 =	vld [tilespmem:s24+$0x150];
	v34 =	vadd.f32 v31, v18;
	[tilespmem:s25+$0x110] =	vst v30  }
0x7f: {  	v47 =	vmul.f32 $1.131370830e+01, v33;
	v37 =	vadd.f32 v4, v18;
	v18 =	vld [tilespmem:s24+$0x1B0];
	[tilespmem:s25+$0x190] =	vst v0  }
0x80: {  	v1 =	vadd.f32 v7, v1;
	v50 =	vmul.f32 $1.131370830e+01, v36;
	v26 =	vld [tilespmem:s25+$0x2B0];
	[tilespmem:s25+$0x210] =	vst v34  }
0x81: {  	v60 =	vld [tilespmem:s23+$0x8150];
	[tilespmem:s25+$0x290] =	vst v37;
	v52 =	vadd.f32 v47, v32  }
0x82: {  	[tilespmem:s20+$0x2D0] =	vst v1;
	v1 =	vadd.f32 v50, v32;
	v45 =	vld [tilespmem:s28+$0x8120]  }
0x83: {  	v28 =	vld [tilespmem:s21+$0x1D0];
	v56 =	vadd.f32 v53, v32;
	[tilespmem:s24+$0x120] =	vst v52  }
0x84: {  	v40 =	vld [tilespmem:s24+$0x1C0];
	v57 =	vadd.f32 v8, v32;
	[tilespmem:s24+$0x1A0] =	vst v1  }
0x85: {  	v58 =	vmul.f32 $1.131370830e+01, v48;
	v0 =	vld [tilespmem:s22+$0x8160];
	[tilespmem:s24+$0x220] =	vst v56  }
0x86: {  	v30 =	vld [tilespmem:s21+$0x250];
	[tilespmem:s24+$0x2A0] =	vst v57;
	v43 =	vadd.f32 v39, v60  }
0x87: {  	v62 =	vmul.f32 $1.131370830e+01, v54;
	v63 =	vld [tilespmem:s26+$0x8130];
	v61 =	vadd.f32 v58, v45  }
0x88: {  	v15 =	vmul.f32 $1.131370830e+01, v55;
	v32 =	vld [tilespmem:s21+$0x2D0];
	v2 =	vadd.f32 v59, v45;
	[tilespmem:s21+$0x150] =	vst v43  }
0x89: {  	v37 =	vld [tilespmem:s24+$0x140];
	v41 =	vmul.f32 $1.131370830e+01, v28;
	v17 =	vadd.f32 v62, v45;
	[tilespmem:s25+$0x120] =	vst v61  }
0x8a: {  	v22 =	vmul.f32 $1.131370830e+01, v16;
	v34 =	vmul.f32 $1.131370830e+01, v25;
	v25 =	vld [tilespmem:s24+$0x1D0];
	v19 =	vadd.f32 v15, v45;
	[tilespmem:s25+$0x1A0] =	vst v2  }
0x8b: {  	v54 =	vld [tilespmem:s25+$0x1C0];
	v3 =	vmul.f32 $1.131370830e+01, v18;
	v46 =	vadd.f32 v41, v60;
	[tilespmem:s25+$0x220] =	vst v17  }
0x8c: {  	v4 =	vmul.f32 $1.131370830e+01, v20;
	v57 =	vld [tilespmem:s25+$0x240];
	[tilespmem:s25+$0x2A0] =	vst v19;
	v8 =	vadd.f32 v22, v63  }
0x8d: {  	v1 =	vmul.f32 $1.131370830e+01, v21;
	[tilespmem:s21+$0x1D0] =	vst v46;
	v3 =	vadd.f32 v3, v63;
	v2 =	vld [tilespmem:s28+$0x8130]  }
0x8e: {  	v56 =	vmul.f32 $1.131370830e+01, v42;
	v42 =	vld [tilespmem:s21+$0x260];
	v44 =	vmul.f32 $1.131370830e+01, v30;
	v4 =	vadd.f32 v4, v63;
	[tilespmem:s24+$0x130] =	vst v8  }
0x8f: {  	v47 =	vmul.f32 $1.131370830e+01, v32;
	v1 =	vadd.f32 v1, v63;
	v61 =	vld [tilespmem:s20+$0x1E0];
	[tilespmem:s24+$0x1B0] =	vst v3  }
0x90: {  	v28 =	vld [tilespmem:s24+$0x2D0];
	v49 =	vadd.f32 v44, v60;
	[tilespmem:s24+$0x230] =	vst v4  }
0x91: {  	v31 =	vmul.f32 $1.131370830e+01, v24;
	v39 =	vld [tilespmem:s21+$0x1E0];
	v52 =	vadd.f32 v47, v60;
	[tilespmem:s24+$0x2B0] =	vst v1  }
0x92: {  	[tilespmem:s21+$0x250] =	vst v49;
	v35 =	vld [tilespmem:s26+$0x8140];
	v33 =	vadd.f32 v29, v2  }
0x93: {  	v36 =	vmul.f32 $1.131370830e+01, v26;
	v45 =	vld [tilespmem:s24+$0x2C0];
	[tilespmem:s21+$0x2D0] =	vst v52;
	v4 =	vadd.f32 v31, v2  }
0x94: {  	v63 =	vld [tilespmem:s20+$0x260];
	v12 =	vmul.f32 $1.131370830e+01, v61;
	v38 =	vadd.f32 v34, v2;
	[tilespmem:s25+$0x130] =	vst v33  }
0x95: {  	v50 =	vmul.f32 $1.131370830e+01, v37;
	v32 =	vld [tilespmem:s25+$0x150];
	v2 =	vadd.f32 v36, v2;
	[tilespmem:s25+$0x1B0] =	vst v4  }
0x96: {  	v53 =	vmul.f32 $1.131370830e+01, v40;
	v37 =	vld [tilespmem:s21+$0x160];
	v41 =	vadd.f32 v12, v0;
	[tilespmem:s25+$0x230] =	vst v38  }
0x97: {  	v19 =	vld [tilespmem:s23+$0x8160];
	[tilespmem:s25+$0x2B0] =	vst v2;
	v55 =	vadd.f32 v50, v35  }
0x98: {  	v59 =	vmul.f32 $1.131370830e+01, v45;
	v58 =	vadd.f32 v53, v35;
	v48 =	vld [tilespmem:s28+$0x8140];
	[tilespmem:s20+$0x1E0] =	vst v41  }
0x99: {  	v60 =	vld [tilespmem:s25+$0x2C0];
	v3 =	vmul.f32 $1.131370830e+01, v63;
	v62 =	vadd.f32 v56, v35;
	[tilespmem:s24+$0x140] =	vst v55  }
0x9a: {  	v44 =	vld [tilespmem:s21+$0x2E0];
	v52 =	vmul.f32 $1.131370830e+01, v42;
	v15 =	vadd.f32 v59, v35;
	[tilespmem:s24+$0x1C0] =	vst v58  }
0x9b: {  	v16 =	vmul.f32 $1.131370830e+01, v51;
	v47 =	vld [tilespmem:s24+$0x160];
	v3 =	vadd.f32 v3, v0;
	[tilespmem:s24+$0x240] =	vst v62  }
0x9c: {  	v18 =	vmul.f32 $1.131370830e+01, v54;
	v17 =	vld [tilespmem:s20+$0x2E0];
	v56 =	vadd.f32 v52, v19;
	[tilespmem:s24+$0x2C0] =	vst v15  }
0x9d: {  	v21 =	vmul.f32 $1.131370830e+01, v57;
	[tilespmem:s20+$0x260] =	vst v3;
	v22 =	vld [tilespmem:s26+$0x8150];
	v20 =	vadd.f32 v16, v48  }
0x9e: {  	v49 =	vld [tilespmem:s24+$0x260];
	v7 =	vmul.f32 $1.131370830e+01, v60;
	[tilespmem:s21+$0x260] =	vst v56;
	v1 =	vadd.f32 v18, v48  }
0x9f: {  	v40 =	vmul.f32 $1.131370830e+01, v32;
	v32 =	vld [tilespmem:s21+$0x2F0];
	v29 =	vmul.f32 $1.131370830e+01, v5;
	v24 =	vadd.f32 v21, v48;
	[tilespmem:s25+$0x140] =	vst v20  }
0xa0: {  	v57 =	vmul.f32 $1.131370830e+01, v47;
	v47 =	vld [tilespmem:s25+$0x1F0];
	v31 =	vmul.f32 $1.131370830e+01, v23;
	v26 =	vadd.f32 v7, v48;
	[tilespmem:s25+$0x1C0] =	vst v1  }
0xa1: {  	v61 =	vld [tilespmem:s25+$0x260];
	v4 =	vmul.f32 $1.131370830e+01, v25;
	[tilespmem:s25+$0x240] =	vst v24;
	v1 =	vadd.f32 v29, v0  }
0xa2: {  	v34 =	vld [tilespmem:s25+$0x250];
	v7 =	vmul.f32 $1.131370830e+01, v27;
	[tilespmem:s25+$0x2C0] =	vst v26;
	v9 =	vadd.f32 v31, v22  }
0xa3: {  	v36 =	vld [tilespmem:s25+$0x2D0];
	v2 =	vmul.f32 $1.131370830e+01, v28;
	v35 =	vadd.f32 v4, v22;
	[tilespmem:s20+$0x160] =	vst v1  }
0xa4: {  	v10 =	vmul.f32 $1.131370830e+01, v17;
	v33 =	vld [tilespmem:s25+$0x1D0];
	v7 =	vadd.f32 v7, v22;
	[tilespmem:s24+$0x150] =	vst v9  }
0xa5: {  	v38 =	vadd.f32 v2, v22;
	v2 =	vmul.f32 $1.131370830e+01, v39;
	v30 =	vld [tilespmem:s28+$0x8150];
	[tilespmem:s24+$0x1D0] =	vst v35  }
0xa6: {  	v50 =	vld [tilespmem:s24+$0x2E0];
	v0 =	vadd.f32 v10, v0;
	[tilespmem:s24+$0x250] =	vst v7;
	v9 =	vmul.f32 $1.131370830e+01, v37  }
0xa7: {  	v28 =	vld [tilespmem:s20+$0x2F0];
	[tilespmem:s24+$0x2D0] =	vst v38;
	v54 =	vadd.f32 v2, v19;
	v1 =	vmul.f32 $1.131370830e+01, v44  }
0xa8: {  	v48 =	vld [tilespmem:s24+$0x1E0];
	[tilespmem:s20+$0x2E0] =	vst v0;
	v51 =	vadd.f32 v9, v19  }
0xa9: {  	v43 =	vmul.f32 $1.131370830e+01, v33;
	v46 =	vld [tilespmem:s26+$0x8160];
	[tilespmem:s21+$0x1E0] =	vst v54;
	v59 =	vadd.f32 v1, v19  }
0xaa: {  	v45 =	vmul.f32 $1.131370830e+01, v34;
	v26 =	vld [tilespmem:s20+$0x1F0];
	v8 =	vadd.f32 v40, v30;
	[tilespmem:s21+$0x160] =	vst v51  }
0xab: {  	v27 =	vld [tilespmem:s20+$0x270];
	v4 =	vmul.f32 $1.131370830e+01, v36;
	v12 =	vadd.f32 v43, v30;
	[tilespmem:s21+$0x2E0] =	vst v59  }
0xac: {  	v21 =	vld [tilespmem:s22+$0x8170];
	v13 =	vadd.f32 v45, v30;
	[tilespmem:s25+$0x150] =	vst v8  }
0xad: {  	v25 =	vld [tilespmem:s20+$0x170];
	v60 =	vmul.f32 $1.131370830e+01, v48;
	v4 =	vadd.f32 v4, v30;
	[tilespmem:s25+$0x1D0] =	vst v12  }
0xae: {  	v63 =	vmul.f32 $1.131370830e+01, v49;
	v55 =	vld [tilespmem:s25+$0x160];
	[tilespmem:s25+$0x250] =	vst v13;
	v62 =	vadd.f32 v57, v46  }
0xaf: {  	v29 =	vld [tilespmem:s21+$0x170];
	v5 =	vmul.f32 $1.131370830e+01, v26;
	[tilespmem:s25+$0x2D0] =	vst v4;
	v12 =	vadd.f32 v60, v46  }
0xb0: {  	v58 =	vld [tilespmem:s25+$0x1E0];
	v6 =	vmul.f32 $1.131370830e+01, v27;
	v14 =	vadd.f32 v63, v46;
	[tilespmem:s24+$0x160] =	vst v62  }
0xb1: {  	v7 =	vmul.f32 $1.131370830e+01, v28;
	v23 =	vld [tilespmem:s23+$0x8170];
	v5 =	vadd.f32 v5, v21;
	[tilespmem:s24+$0x1E0] =	vst v12  }
0xb2: {  	v13 =	vmul.f32 $1.131370830e+01, v50;
	v34 =	vadd.f32 v6, v21;
	v53 =	vld [tilespmem:s28+$0x8160];
	[tilespmem:s24+$0x260] =	vst v14  }
0xb3: {  	v9 =	vld [tilespmem:s25+$0x2E0];
	v4 =	vmul.f32 $1.131370830e+01, v25;
	v3 =	vadd.f32 v7, v21;
	[tilespmem:s20+$0x1F0] =	vst v5  }
0xb4: {  	v31 =	vld [tilespmem:s21+$0x270];
	v35 =	vmul.f32 $1.131370830e+01, v29;
	v15 =	vadd.f32 v13, v46;
	[tilespmem:s20+$0x270] =	vst v34  }
0xb5: {  	v33 =	vld [tilespmem:s24+$0x170];
	v2 =	vmul.f32 $1.131370830e+01, v55;
	v4 =	vadd.f32 v4, v21;
	[tilespmem:s20+$0x2F0] =	vst v3  }
0xb6: {  	v16 =	vmul.f32 $1.131370830e+01, v58;
	v30 =	vld [tilespmem:s21+$0x1F0];
	[tilespmem:s24+$0x2E0] =	vst v15;
	v39 =	vadd.f32 v35, v23  }
0xb7: {  	v17 =	vmul.f32 $1.131370830e+01, v61;
	v36 =	vld [tilespmem:s24+$0x1F0];
	[tilespmem:s20+$0x170] =	vst v4;
	v2 =	vadd.f32 v2, v53  }
0xb8: {  	v38 =	vld [tilespmem:s24+$0x270];
	v19 =	vmul.f32 $1.131370830e+01, v9;
	v18 =	vadd.f32 v16, v53;
	[tilespmem:s21+$0x170] =	vst v39  }
0xb9: {  	v40 =	vmul.f32 $1.131370830e+01, v31;
	v24 =	vld [tilespmem:s26+$0x8170];
	v20 =	vadd.f32 v17, v53;
	[tilespmem:s25+$0x160] =	vst v2  }
0xba: {  	v41 =	vld [tilespmem:s24+$0x2F0];
	v43 =	vmul.f32 $1.131370830e+01, v32;
	v22 =	vadd.f32 v19, v53;
	[tilespmem:s25+$0x1E0] =	vst v18  }
0xbb: {  	v44 =	vld [tilespmem:s25+$0x170];
	v37 =	vmul.f32 $1.131370830e+01, v30;
	v45 =	vadd.f32 v40, v23;
	[tilespmem:s25+$0x260] =	vst v20  }
0xbc: {  	v49 =	vld [tilespmem:s25+$0x270];
	v46 =	vmul.f32 $1.131370830e+01, v33;
	v1 =	vadd.f32 v43, v23;
	[tilespmem:s25+$0x2E0] =	vst v22  }
0xbd: {  	v48 =	vmul.f32 $1.131370830e+01, v36;
	v42 =	vadd.f32 v37, v23;
	[tilespmem:s21+$0x270] =	vst v45;
	v0 =	vld [tilespmem:s28+$0x8170]  }
0xbe: {  	v52 =	vld [tilespmem:s25+$0x2F0];
	v51 =	vmul.f32 $1.131370830e+01, v38;
	[tilespmem:s21+$0x2F0] =	vst v1;
	v50 =	vadd.f32 v46, v24  }
0xbf: {  	v54 =	vmul.f32 $1.131370830e+01, v41;
	[tilespmem:s21+$0x1F0] =	vst v42;
	v53 =	vadd.f32 v48, v24  }
0xc0: {  	v56 =	vmul.f32 $1.131370830e+01, v44;
	v55 =	vadd.f32 v51, v24;
	[tilespmem:s24+$0x170] =	vst v50  }
0xc1: {  	v58 =	vmul.f32 $1.131370830e+01, v47;
	v57 =	vadd.f32 v54, v24;
	[tilespmem:s24+$0x1F0] =	vst v53  }
0xc2: {  	p0 =	slt.u32 s19, $0x1C;
	v60 =	vmul.f32 $1.131370830e+01, v49;
	[tilespmem:s24+$0x270] =	vst v55;
	v59 =	vadd.f32 v56, v0  }
.Ltmp0:
0xc3: {  	v62 =	vmul.f32 $1.131370830e+01, v52;
	[tilespmem:s24+$0x2F0] =	vst v57;
	v61 =	vadd.f32 v58, v0;
	(pc) =	sbr.rel @p0 .LBB2_2-.Ltmp0, $4  }
0xc4: {  	v63 =	vadd.f32 v60, v0;
	[tilespmem:s25+$0x170] =	vst v59  }
0xc5: {  	v0 =	vadd.f32 v62, v0;
	[tilespmem:s25+$0x1F0] =	vst v61  }
0xc6: {  	s31 =	sadd.s32 $0x4, s19;
	[tilespmem:s25+$0x270] =	vst v63  }
0xc7: {  	s19 =	smov.u32 s31;
	[tilespmem:s25+$0x2F0] =	vst v0  }
0xc8: {  	s19 =	simm.s32 $0x0  }
0xc9: {  	[hbm4b:s6+s19] =	stream.linear.scatter [tilespmem:s12], [sflag:$0x3], $0x4000, $0x38;
	[tilespmem:$0xA100] =	vst v63  }
0xca: {  	_ =	swait.ge [sflag:s16], $0x4000  }
0xcb: {  	[sflag:s16] =	ssyncset.done $0x0  }
0xcc: {  	[sflag:s16] =	ssyncadd.s32 $0xFFFFC000  }
.LBB2_4:
0xcd: {  	s20 =	sshll.u32 s19, $0x9  }
0xce: {  	s21 =	sshra.s32 s20, $0x2  }
0xcf: {  	s20 =	sand.u32 $0x3FFFFE00, s20;
	v0 =	vld [tilespmem:s21+$0x9100]  }
0xd0: {  	v1 =	vld [tilespmem:s20+$0x4100]  }
0xd1: {  	v2 =	vld [tilespmem:s20+$0x4180]  }
0xd2: {  	v3 =	vld [tilespmem:s20+$0x4200]  }
0xd3: {  	v4 =	vld [tilespmem:s20+$0x4280]  }
0xd4: {  	v37 =	vld [tilespmem:s20+$0x4110]  }
0xd5: {  	v38 =	vld [tilespmem:s20+$0x4190]  }
0xd6: {  	v39 =	vld [tilespmem:s20+$0x4210]  }
0xd7: {  	v40 =	vld [tilespmem:s20+$0x4290]  }
0xd8: {  	v42 =	vld [tilespmem:s20+$0x4120]  }
0xd9: {  	v43 =	vld [tilespmem:s20+$0x41A0]  }
0xda: {  	v44 =	vld [tilespmem:s20+$0x4220]  }
0xdb: {  	v45 =	vld [tilespmem:s20+$0x42A0]  }
0xdc: {  	v5 =	vld [tilespmem:s21+$0x9180]  }
0xdd: {  	v6 =	vld [tilespmem:s20+$0x4300]  }
0xde: {  	v7 =	vld [tilespmem:s20+$0x4380]  }
0xdf: {  	v8 =	vld [tilespmem:s20+$0x4400]  }
0xe0: {  	v9 =	vld [tilespmem:s20+$0x4480];
	v1 =	vmul.f32 $1.131370830e+01, v1  }
0xe1: {  	v53 =	vld [tilespmem:s20+$0x4130];
	v2 =	vmul.f32 $1.131370830e+01, v2  }
0xe2: {  	v55 =	vld [tilespmem:s20+$0x41B0];
	v3 =	vmul.f32 $1.131370830e+01, v3;
	v1 =	vadd.f32 v1, v0  }
0xe3: {  	v57 =	vld [tilespmem:s20+$0x4230];
	v4 =	vmul.f32 $1.131370830e+01, v4;
	v2 =	vadd.f32 v2, v0  }
0xe4: {  	v58 =	vld [tilespmem:s20+$0x42B0];
	v36 =	vadd.f32 v3, v0;
	[tilespmem:s20+$0x4100] =	vst v1  }
0xe5: {  	v60 =	vld [tilespmem:s20+$0x4310];
	v0 =	vadd.f32 v4, v0;
	[tilespmem:s20+$0x4180] =	vst v2  }
0xe6: {  	v61 =	vld [tilespmem:s20+$0x4390];
	[tilespmem:s20+$0x4200] =	vst v36  }
0xe7: {  	v62 =	vld [tilespmem:s20+$0x4410];
	[tilespmem:s20+$0x4280] =	vst v0  }
0xe8: {  	v0 =	vld [tilespmem:s21+$0x9110]  }
0xe9: {  	v63 =	vld [tilespmem:s20+$0x4490]  }
0xea: {  	v15 =	vld [tilespmem:s20+$0x4140]  }
0xeb: {  	v17 =	vld [tilespmem:s20+$0x41C0];
	v1 =	vmul.f32 $1.131370830e+01, v37  }
0xec: {  	v18 =	vld [tilespmem:s20+$0x4240];
	v2 =	vmul.f32 $1.131370830e+01, v38  }
0xed: {  	v19 =	vld [tilespmem:s20+$0x42C0];
	v3 =	vmul.f32 $1.131370830e+01, v39;
	v1 =	vadd.f32 v1, v0  }
0xee: {  	v21 =	vld [tilespmem:s20+$0x4320];
	v4 =	vmul.f32 $1.131370830e+01, v40;
	v2 =	vadd.f32 v2, v0  }
0xef: {  	v22 =	vld [tilespmem:s20+$0x43A0];
	v41 =	vadd.f32 v3, v0;
	[tilespmem:s20+$0x4110] =	vst v1  }
0xf0: {  	v23 =	vld [tilespmem:s20+$0x4420];
	v0 =	vadd.f32 v4, v0;
	[tilespmem:s20+$0x4190] =	vst v2  }
0xf1: {  	v24 =	vld [tilespmem:s20+$0x44A0];
	[tilespmem:s20+$0x4210] =	vst v41  }
0xf2: {  	v31 =	vld [tilespmem:s20+$0x4150];
	[tilespmem:s20+$0x4290] =	vst v0  }
0xf3: {  	v0 =	vld [tilespmem:s21+$0x9120]  }
0xf4: {  	v33 =	vld [tilespmem:s20+$0x41D0]  }
0xf5: {  	v34 =	vld [tilespmem:s20+$0x4250]  }
0xf6: {  	v35 =	vld [tilespmem:s20+$0x42D0];
	v47 =	vmul.f32 $1.131370830e+01, v6;
	v1 =	vmul.f32 $1.131370830e+01, v42  }
0xf7: {  	v14 =	vmul.f32 $1.131370830e+01, v63;
	v63 =	vld [tilespmem:s20+$0x4510];
	v2 =	vmul.f32 $1.131370830e+01, v43  }
0xf8: {  	v28 =	vmul.f32 $1.131370830e+01, v23;
	v23 =	vld [tilespmem:s20+$0x4690];
	v3 =	vmul.f32 $1.131370830e+01, v44;
	v1 =	vadd.f32 v1, v0  }
0xf9: {  	v6 =	vmul.f32 $1.131370830e+01, v31;
	v31 =	vld [tilespmem:s20+$0x4790];
	v4 =	vmul.f32 $1.131370830e+01, v45;
	v2 =	vadd.f32 v2, v0  }
0xfa: {  	v50 =	vmul.f32 $1.131370830e+01, v8;
	v39 =	vld [tilespmem:s20+$0x44B0];
	v46 =	vadd.f32 v3, v0;
	[tilespmem:s20+$0x4120] =	vst v1  }
0xfb: {  	v52 =	vmul.f32 $1.131370830e+01, v9;
	v49 =	vadd.f32 v47, v5;
	v47 =	vld [tilespmem:s20+$0x4500];
	v0 =	vadd.f32 v4, v0;
	[tilespmem:s20+$0x41A0] =	vst v2  }
0xfc: {  	v54 =	vadd.f32 v50, v5;
	v50 =	vld [tilespmem:s20+$0x4680];
	[tilespmem:s20+$0x4220] =	vst v46  }
0xfd: {  	v56 =	vadd.f32 v52, v5;
	v52 =	vld [tilespmem:s20+$0x4700];
	[tilespmem:s20+$0x42A0] =	vst v0  }
0xfe: {  	v48 =	vmul.f32 $1.131370830e+01, v7;
	v51 =	vld [tilespmem:s21+$0x9130]  }
0xff: {  	[tilespmem:s20+$0x4300] =	vst v49;
	v36 =	vld [tilespmem:s20+$0x4330]  }
0x100: {  	[tilespmem:s20+$0x4400] =	vst v54;
	v37 =	vld [tilespmem:s20+$0x43B0];
	v1 =	vadd.f32 v48, v5  }
0x101: {  	v59 =	vmul.f32 $1.131370830e+01, v53;
	[tilespmem:s20+$0x4480] =	vst v56;
	v38 =	vld [tilespmem:s20+$0x4430]  }
0x102: {  	v49 =	vld [tilespmem:s20+$0x4600];
	v2 =	vmul.f32 $1.131370830e+01, v55;
	[tilespmem:s20+$0x4380] =	vst v1  }
0x103: {  	v4 =	vmul.f32 $1.131370830e+01, v57;
	v1 =	vld [tilespmem:s21+$0x9190];
	v5 =	vadd.f32 v59, v51  }
0x104: {  	v54 =	vld [tilespmem:s20+$0x43C0];
	v0 =	vmul.f32 $1.131370830e+01, v58;
	v2 =	vadd.f32 v2, v51  }
0x105: {  	v56 =	vld [tilespmem:s20+$0x4440];
	v4 =	vadd.f32 v4, v51;
	[tilespmem:s20+$0x4130] =	vst v5  }
0x106: {  	v10 =	vmul.f32 $1.131370830e+01, v60;
	v40 =	vmul.f32 $1.131370830e+01, v37;
	v37 =	vld [tilespmem:s20+$0x4890];
	v0 =	vadd.f32 v0, v51;
	[tilespmem:s20+$0x41B0] =	vst v2  }
0x107: {  	v11 =	vmul.f32 $1.131370830e+01, v61;
	v42 =	vmul.f32 $1.131370830e+01, v38;
	v38 =	vld [tilespmem:s20+$0x41E0];
	[tilespmem:s20+$0x4230] =	vst v4  }
0x108: {  	v13 =	vmul.f32 $1.131370830e+01, v62;
	v51 =	vld [tilespmem:s21+$0x9280];
	[tilespmem:s20+$0x42B0] =	vst v0;
	v12 =	vadd.f32 v10, v1  }
0x109: {  	v3 =	vadd.f32 v11, v1;
	v4 =	vld [tilespmem:s21+$0x9140]  }
0x10a: {  	v46 =	vld [tilespmem:s21+$0x9200];
	v16 =	vadd.f32 v13, v1;
	[tilespmem:s20+$0x4310] =	vst v12  }
0x10b: {  	v55 =	vmul.f32 $1.131370830e+01, v52;
	v1 =	vadd.f32 v14, v1;
	v11 =	vld [tilespmem:s20+$0x4800];
	[tilespmem:s20+$0x4390] =	vst v3  }
0x10c: {  	v20 =	vmul.f32 $1.131370830e+01, v15;
	v48 =	vld [tilespmem:s20+$0x4580];
	[tilespmem:s20+$0x4410] =	vst v16  }
0x10d: {  	v58 =	vld [tilespmem:s20+$0x44C0];
	v2 =	vmul.f32 $1.131370830e+01, v17;
	[tilespmem:s20+$0x4490] =	vst v1;
	v59 =	vadd.f32 v55, v51  }
0x10e: {  	v3 =	vmul.f32 $1.131370830e+01, v18;
	v1 =	vld [tilespmem:s21+$0x91A0];
	v5 =	vadd.f32 v20, v4  }
0x10f: {  	v0 =	vmul.f32 $1.131370830e+01, v19;
	v10 =	vld [tilespmem:s20+$0x4780];
	[tilespmem:s20+$0x4700] =	vst v59;
	v2 =	vadd.f32 v2, v4  }
0x110: {  	v13 =	vld [tilespmem:s20+$0x4340];
	v60 =	vmul.f32 $1.131370830e+01, v11;
	v3 =	vadd.f32 v3, v4;
	[tilespmem:s20+$0x4140] =	vst v5  }
0x111: {  	v25 =	vmul.f32 $1.131370830e+01, v21;
	v12 =	vld [tilespmem:s20+$0x4880];
	v0 =	vadd.f32 v0, v4;
	[tilespmem:s20+$0x41C0] =	vst v2  }
0x112: {  	v26 =	vmul.f32 $1.131370830e+01, v22;
	v14 =	vld [tilespmem:s20+$0x4350];
	v16 =	vadd.f32 v60, v51;
	[tilespmem:s20+$0x4240] =	vst v3  }
0x113: {  	v18 =	vld [tilespmem:s20+$0x4590];
	[tilespmem:s20+$0x42C0] =	vst v0;
	v27 =	vadd.f32 v25, v1  }
0x114: {  	v30 =	vmul.f32 $1.131370830e+01, v24;
	v55 =	vld [tilespmem:s20+$0x46A0];
	v3 =	vadd.f32 v26, v1;
	[tilespmem:s20+$0x4800] =	vst v16  }
0x115: {  	v4 =	vmul.f32 $1.131370830e+01, v47;
	v32 =	vadd.f32 v28, v1;
	v29 =	vld [tilespmem:s21+$0x9150];
	[tilespmem:s20+$0x4320] =	vst v27  }
0x116: {  	v59 =	vld [tilespmem:s20+$0x47A0];
	v62 =	vmul.f32 $1.131370830e+01, v12;
	v1 =	vadd.f32 v30, v1;
	[tilespmem:s20+$0x43A0] =	vst v3  }
0x117: {  	v57 =	vmul.f32 $1.131370830e+01, v10;
	v17 =	vmul.f32 $1.131370830e+01, v13;
	v13 =	vld [tilespmem:s20+$0x4560];
	v4 =	vadd.f32 v4, v46;
	[tilespmem:s20+$0x4420] =	vst v32  }
0x118: {  	v20 =	vld [tilespmem:s20+$0x4610];
	v19 =	vadd.f32 v62, v51;
	[tilespmem:s20+$0x44A0] =	vst v1  }
0x119: {  	v2 =	vmul.f32 $1.131370830e+01, v33;
	[tilespmem:s20+$0x4500] =	vst v4;
	v4 =	vadd.f32 v57, v51;
	v1 =	vld [tilespmem:s21+$0x91B0]  }
0x11a: {  	v25 =	vmul.f32 $1.131370830e+01, v58;
	v58 =	vld [tilespmem:s20+$0x4720];
	v3 =	vmul.f32 $1.131370830e+01, v34;
	[tilespmem:s20+$0x4880] =	vst v19;
	v6 =	vadd.f32 v6, v29  }
0x11b: {  	v0 =	vmul.f32 $1.131370830e+01, v35;
	v28 =	vmul.f32 $1.131370830e+01, v63;
	v63 =	vld [tilespmem:s20+$0x48A0];
	[tilespmem:s20+$0x4780] =	vst v4;
	v2 =	vadd.f32 v2, v29  }
0x11c: {  	v5 =	vmul.f32 $1.131370830e+01, v36;
	v30 =	vmul.f32 $1.131370830e+01, v18;
	v18 =	vld [tilespmem:s20+$0x4450];
	v3 =	vadd.f32 v3, v29;
	[tilespmem:s20+$0x4150] =	vst v6  }
0x11d: {  	v16 =	vld [tilespmem:s20+$0x43D0];
	v0 =	vadd.f32 v0, v29;
	[tilespmem:s20+$0x41D0] =	vst v2  }
0x11e: {  	v34 =	vld [tilespmem:s20+$0x4810];
	[tilespmem:s20+$0x4250] =	vst v3;
	v41 =	vadd.f32 v5, v1  }
0x11f: {  	v7 =	vmul.f32 $1.131370830e+01, v50;
	v51 =	vld [tilespmem:s20+$0x45A0];
	[tilespmem:s20+$0x42D0] =	vst v0;
	v43 =	vadd.f32 v40, v1  }
0x120: {  	v26 =	vld [tilespmem:s21+$0x9290];
	v45 =	vadd.f32 v42, v1;
	v5 =	vmul.f32 $1.131370830e+01, v48;
	[tilespmem:s20+$0x4330] =	vst v41  }
0x121: {  	v44 =	vmul.f32 $1.131370830e+01, v39;
	v29 =	vld [tilespmem:s20+$0x4710];
	v6 =	vmul.f32 $1.131370830e+01, v49;
	v3 =	vadd.f32 v7, v46;
	[tilespmem:s20+$0x43B0] =	vst v43  }
0x122: {  	v33 =	vmul.f32 $1.131370830e+01, v20;
	v20 =	vld [tilespmem:s20+$0x44D0];
	[tilespmem:s20+$0x4430] =	vst v45;
	v5 =	vadd.f32 v5, v46  }
0x123: {  	v1 =	vadd.f32 v44, v1;
	v40 =	vld [tilespmem:s20+$0x4260];
	v44 =	vmul.f32 $1.131370830e+01, v31;
	v53 =	vadd.f32 v6, v46;
	[tilespmem:s20+$0x4680] =	vst v3  }
0x124: {  	v47 =	vmul.f32 $1.131370830e+01, v34;
	v0 =	vld [tilespmem:s21+$0x9160];
	[tilespmem:s20+$0x4580] =	vst v5  }
0x125: {  	v2 =	vld [tilespmem:s20+$0x4160];
	v7 =	vmul.f32 $1.131370830e+01, v37;
	v3 =	vadd.f32 v44, v26;
	[tilespmem:s20+$0x4600] =	vst v53  }
0x126: {  	[tilespmem:s20+$0x44B0] =	vst v1;
	v50 =	vadd.f32 v47, v26;
	v42 =	vmul.f32 $1.131370830e+01, v29;
	v61 =	vld [tilespmem:s21+$0x9210]  }
0x127: {  	v22 =	vmul.f32 $1.131370830e+01, v56;
	v56 =	vmul.f32 $1.131370830e+01, v38;
	v49 =	vld [tilespmem:s20+$0x4520];
	v52 =	vadd.f32 v7, v26;
	[tilespmem:s20+$0x4790] =	vst v3  }
0x128: {  	v43 =	vld [tilespmem:s20+$0x42E0];
	[tilespmem:s20+$0x4810] =	vst v50;
	v46 =	vadd.f32 v42, v26;
	v5 =	vmul.f32 $1.131370830e+01, v40  }
0x129: {  	v1 =	vld [tilespmem:s21+$0x91C0];
	[tilespmem:s20+$0x4890] =	vst v52;
	v3 =	vadd.f32 v56, v0  }
0x12a: {  	v29 =	vmul.f32 $1.131370830e+01, v16;
	v16 =	vld [tilespmem:s20+$0x47C0];
	[tilespmem:s20+$0x4710] =	vst v46;
	v5 =	vadd.f32 v5, v0  }
0x12b: {  	v53 =	vld [tilespmem:s20+$0x4620];
	[tilespmem:s20+$0x41E0] =	vst v3;
	v32 =	vadd.f32 v28, v61  }
0x12c: {  	v36 =	vmul.f32 $1.131370830e+01, v23;
	v42 =	vld [tilespmem:s20+$0x47B0];
	[tilespmem:s20+$0x4260] =	vst v5;
	v35 =	vadd.f32 v30, v61  }
0x12d: {  	v56 =	vld [tilespmem:s20+$0x4540];
	v39 =	vadd.f32 v33, v61;
	[tilespmem:s20+$0x4510] =	vst v32  }
0x12e: {  	v6 =	vmul.f32 $1.131370830e+01, v54;
	v46 =	vld [tilespmem:s20+$0x48B0];
	v41 =	vadd.f32 v36, v61;
	[tilespmem:s20+$0x4590] =	vst v35  }
0x12f: {  	v21 =	vadd.f32 v17, v1;
	v57 =	vld [tilespmem:s21+$0x92A0];
	[tilespmem:s20+$0x4610] =	vst v39  }
0x130: {  	v24 =	vadd.f32 v6, v1;
	v17 =	vmul.f32 $1.131370830e+01, v58;
	v58 =	vld [tilespmem:s20+$0x45C0];
	[tilespmem:s20+$0x4690] =	vst v41  }
0x131: {  	v54 =	vmul.f32 $1.131370830e+01, v2;
	v27 =	vadd.f32 v22, v1;
	v1 =	vadd.f32 v25, v1;
	[tilespmem:s20+$0x4340] =	vst v21;
	v48 =	vld [tilespmem:s21+$0x9220]  }
0x132: {  	v10 =	vmul.f32 $1.131370830e+01, v43;
	v5 =	vld [tilespmem:s20+$0x4170];
	[tilespmem:s20+$0x43C0] =	vst v24  }
0x133: {  	[tilespmem:s20+$0x44C0] =	vst v1;
	v1 =	vadd.f32 v54, v0;
	v61 =	vld [tilespmem:s20+$0x4820]  }
0x134: {  	v11 =	vmul.f32 $1.131370830e+01, v49;
	[tilespmem:s20+$0x4440] =	vst v27;
	v24 =	vld [tilespmem:s20+$0x4530];
	v0 =	vadd.f32 v10, v0  }
0x135: {  	v4 =	vmul.f32 $1.131370830e+01, v51;
	v27 =	vld [tilespmem:s20+$0x45B0];
	[tilespmem:s20+$0x4160] =	vst v1;
	v21 =	vadd.f32 v17, v57  }
0x136: {  	v7 =	vmul.f32 $1.131370830e+01, v53;
	v45 =	vld [tilespmem:s21+$0x91D0];
	[tilespmem:s20+$0x42E0] =	vst v0;
	v60 =	vadd.f32 v11, v48  }
0x137: {  	v2 =	vmul.f32 $1.131370830e+01, v55;
	v30 =	vld [tilespmem:s20+$0x4630];
	[tilespmem:s20+$0x4720] =	vst v21;
	v62 =	vadd.f32 v4, v48  }
0x138: {  	v19 =	vmul.f32 $1.131370830e+01, v59;
	v33 =	vld [tilespmem:s20+$0x46B0];
	v15 =	vadd.f32 v7, v48;
	[tilespmem:s20+$0x4520] =	vst v60  }
0x139: {  	v26 =	vmul.f32 $1.131370830e+01, v14;
	v39 =	vld [tilespmem:s20+$0x4730];
	v2 =	vadd.f32 v2, v48;
	[tilespmem:s20+$0x45A0] =	vst v62  }
0x13a: {  	v32 =	vmul.f32 $1.131370830e+01, v18;
	v18 =	vld [tilespmem:s20+$0x48C0];
	v1 =	vadd.f32 v19, v57;
	[tilespmem:s20+$0x4620] =	vst v15  }
0x13b: {  	v35 =	vmul.f32 $1.131370830e+01, v20;
	v20 =	vld [tilespmem:s20+$0x43E0];
	v22 =	vmul.f32 $1.131370830e+01, v61;
	v31 =	vadd.f32 v26, v45;
	[tilespmem:s20+$0x46A0] =	vst v2  }
0x13c: {  	[tilespmem:s20+$0x47A0] =	vst v1;
	v34 =	vadd.f32 v29, v45;
	v4 =	vmul.f32 $1.131370830e+01, v63;
	v23 =	vld [tilespmem:s21+$0x9230]  }
0x13d: {  	v55 =	vmul.f32 $1.131370830e+01, v46;
	v46 =	vld [tilespmem:s20+$0x47D0];
	v25 =	vadd.f32 v22, v57;
	[tilespmem:s20+$0x4350] =	vst v31  }
0x13e: {  	v0 =	vld [tilespmem:s21+$0x9170];
	[tilespmem:s20+$0x43D0] =	vst v34;
	v28 =	vadd.f32 v4, v57  }
0x13f: {  	v17 =	vld [tilespmem:s20+$0x4840];
	v38 =	vmul.f32 $1.131370830e+01, v24;
	v37 =	vadd.f32 v32, v45;
	[tilespmem:s20+$0x4820] =	vst v25  }
0x140: {  	v41 =	vmul.f32 $1.131370830e+01, v27;
	v40 =	vadd.f32 v35, v45;
	v45 =	vld [tilespmem:s20+$0x4830];
	[tilespmem:s20+$0x48A0] =	vst v28  }
0x141: {  	v44 =	vmul.f32 $1.131370830e+01, v30;
	[tilespmem:s20+$0x4450] =	vst v37;
	v36 =	vld [tilespmem:s21+$0x92B0];
	v43 =	vadd.f32 v38, v23  }
0x142: {  	v19 =	vld [tilespmem:s20+$0x4360];
	v8 =	vmul.f32 $1.131370830e+01, v33;
	[tilespmem:s20+$0x44D0] =	vst v40;
	v1 =	vadd.f32 v41, v23  }
0x143: {  	v3 =	vmul.f32 $1.131370830e+01, v58;
	v58 =	vld [tilespmem:s20+$0x42F0];
	v47 =	vadd.f32 v44, v23;
	[tilespmem:s20+$0x4530] =	vst v43  }
0x144: {  	v61 =	vld [tilespmem:s20+$0x46C0];
	v49 =	vmul.f32 $1.131370830e+01, v39;
	v48 =	vadd.f32 v8, v23;
	[tilespmem:s20+$0x45B0] =	vst v1  }
0x145: {  	v50 =	vmul.f32 $1.131370830e+01, v42;
	v51 =	vld [tilespmem:s21+$0x91E0];
	[tilespmem:s20+$0x4630] =	vst v47  }
0x146: {  	v60 =	vld [tilespmem:s20+$0x4640];
	v53 =	vmul.f32 $1.131370830e+01, v45;
	[tilespmem:s20+$0x46B0] =	vst v48;
	v52 =	vadd.f32 v49, v36  }
0x147: {  	v2 =	vadd.f32 v50, v36;
	v54 =	vld [tilespmem:s21+$0x9240]  }
0x148: {  	v24 =	vld [tilespmem:s20+$0x44E0];
	v31 =	vmul.f32 $1.131370830e+01, v19;
	v57 =	vadd.f32 v53, v36;
	[tilespmem:s20+$0x4730] =	vst v52  }
0x149: {  	v29 =	vld [tilespmem:s20+$0x4550];
	v33 =	vmul.f32 $1.131370830e+01, v20;
	v59 =	vadd.f32 v55, v36;
	[tilespmem:s20+$0x47B0] =	vst v2  }
0x14a: {  	v63 =	vld [tilespmem:s20+$0x4740];
	v62 =	vmul.f32 $1.131370830e+01, v56;
	v35 =	vadd.f32 v31, v51;
	[tilespmem:s20+$0x4830] =	vst v57  }
0x14b: {  	v32 =	vld [tilespmem:s20+$0x45D0];
	v38 =	vadd.f32 v33, v51;
	[tilespmem:s20+$0x48B0] =	vst v59  }
0x14c: {  	v4 =	vmul.f32 $1.131370830e+01, v60;
	[tilespmem:s20+$0x4360] =	vst v35;
	v2 =	vld [tilespmem:s21+$0x92C0];
	v8 =	vadd.f32 v62, v54  }
0x14d: {  	v22 =	vld [tilespmem:s20+$0x4460];
	v1 =	vmul.f32 $1.131370830e+01, v61;
	[tilespmem:s20+$0x43E0] =	vst v38;
	v3 =	vadd.f32 v3, v54  }
0x14e: {  	v34 =	vld [tilespmem:s20+$0x4650];
	v39 =	vmul.f32 $1.131370830e+01, v24;
	v4 =	vadd.f32 v4, v54;
	[tilespmem:s20+$0x4540] =	vst v8  }
0x14f: {  	v21 =	vmul.f32 $1.131370830e+01, v63;
	v53 =	vld [tilespmem:s20+$0x41F0];
	v1 =	vadd.f32 v1, v54;
	[tilespmem:s20+$0x45C0] =	vst v3  }
0x150: {  	v37 =	vld [tilespmem:s20+$0x46D0];
	v23 =	vmul.f32 $1.131370830e+01, v16;
	v44 =	vadd.f32 v39, v51;
	[tilespmem:s20+$0x4640] =	vst v4  }
0x151: {  	v26 =	vmul.f32 $1.131370830e+01, v17;
	v17 =	vld [tilespmem:s20+$0x4660];
	[tilespmem:s20+$0x46C0] =	vst v1;
	v25 =	vadd.f32 v21, v2  }
0x152: {  	v28 =	vmul.f32 $1.131370830e+01, v18;
	[tilespmem:s20+$0x44E0] =	vst v44;
	v4 =	vadd.f32 v23, v2;
	v27 =	vld [tilespmem:s21+$0x9250]  }
0x153: {  	v15 =	vld [tilespmem:s20+$0x45E0];
	v36 =	vmul.f32 $1.131370830e+01, v22;
	v30 =	vadd.f32 v26, v2;
	[tilespmem:s20+$0x4740] =	vst v25  }
0x154: {  	v55 =	vld [tilespmem:s20+$0x4270];
	v12 =	vmul.f32 $1.131370830e+01, v53;
	v2 =	vadd.f32 v28, v2;
	[tilespmem:s20+$0x47C0] =	vst v4  }
0x155: {  	v42 =	vmul.f32 $1.131370830e+01, v29;
	v43 =	vld [tilespmem:s20+$0x4750];
	v41 =	vadd.f32 v36, v51;
	[tilespmem:s20+$0x4840] =	vst v30  }
0x156: {  	v45 =	vmul.f32 $1.131370830e+01, v32;
	v49 =	vld [tilespmem:s20+$0x4850];
	v31 =	vadd.f32 v12, v0;
	[tilespmem:s20+$0x48C0] =	vst v2  }
0x157: {  	v48 =	vmul.f32 $1.131370830e+01, v34;
	[tilespmem:s20+$0x4460] =	vst v41;
	v40 =	vld [tilespmem:s21+$0x92D0];
	v47 =	vadd.f32 v42, v27  }
0x158: {  	v51 =	vmul.f32 $1.131370830e+01, v37;
	v52 =	vld [tilespmem:s20+$0x48D0];
	[tilespmem:s20+$0x41F0] =	vst v31;
	v50 =	vadd.f32 v45, v27  }
0x159: {  	v24 =	vld [tilespmem:s20+$0x4860];
	v3 =	vmul.f32 $1.131370830e+01, v55;
	v54 =	vadd.f32 v48, v27;
	[tilespmem:s20+$0x4550] =	vst v47  }
0x15a: {  	v29 =	vld [tilespmem:s20+$0x43F0];
	v57 =	vmul.f32 $1.131370830e+01, v43;
	v56 =	vadd.f32 v51, v27;
	[tilespmem:s20+$0x45D0] =	vst v50  }
0x15b: {  	v32 =	vld [tilespmem:s20+$0x4470];
	v59 =	vmul.f32 $1.131370830e+01, v46;
	v3 =	vadd.f32 v3, v0;
	[tilespmem:s20+$0x4650] =	vst v54  }
0x15c: {  	v18 =	vld [tilespmem:s20+$0x46E0];
	v62 =	vmul.f32 $1.131370830e+01, v49;
	[tilespmem:s20+$0x46D0] =	vst v56;
	v61 =	vadd.f32 v57, v40  }
0x15d: {  	v7 =	vmul.f32 $1.131370830e+01, v52;
	[tilespmem:s20+$0x4270] =	vst v3;
	v1 =	vadd.f32 v59, v40;
	v63 =	vld [tilespmem:s21+$0x9260]  }
0x15e: {  	v19 =	vmul.f32 $1.131370830e+01, v5;
	v22 =	vld [tilespmem:s20+$0x4760];
	v14 =	vadd.f32 v62, v40;
	[tilespmem:s20+$0x4750] =	vst v61  }
0x15f: {  	v10 =	vmul.f32 $1.131370830e+01, v58;
	v34 =	vld [tilespmem:s20+$0x44F0];
	v16 =	vadd.f32 v7, v40;
	[tilespmem:s20+$0x47D0] =	vst v1  }
0x160: {  	v60 =	vld [tilespmem:s21+$0x91F0];
	v21 =	vmul.f32 $1.131370830e+01, v13;
	[tilespmem:s20+$0x4850] =	vst v14;
	v1 =	vadd.f32 v19, v0  }
0x161: {  	v23 =	vld [tilespmem:s20+$0x47E0];
	v4 =	vmul.f32 $1.131370830e+01, v15;
	[tilespmem:s20+$0x48D0] =	vst v16;
	v0 =	vadd.f32 v10, v0  }
0x162: {  	v7 =	vmul.f32 $1.131370830e+01, v17;
	v20 =	vld [tilespmem:s21+$0x92E0];
	[tilespmem:s20+$0x4170] =	vst v1;
	v9 =	vadd.f32 v21, v63  }
0x163: {  	v26 =	vld [tilespmem:s20+$0x48E0];
	v2 =	vmul.f32 $1.131370830e+01, v18;
	[tilespmem:s20+$0x42F0] =	vst v0;
	v25 =	vadd.f32 v4, v63  }
0x164: {  	v39 =	vld [tilespmem:s20+$0x4670];
	v1 =	vmul.f32 $1.131370830e+01, v34;
	v7 =	vadd.f32 v7, v63;
	[tilespmem:s20+$0x4560] =	vst v9  }
0x165: {  	v30 =	vmul.f32 $1.131370830e+01, v22;
	v27 =	vld [tilespmem:s20+$0x4370];
	v28 =	vadd.f32 v2, v63;
	[tilespmem:s20+$0x45E0] =	vst v25  }
0x166: {  	v38 =	vld [tilespmem:s20+$0x45F0];
	v33 =	vmul.f32 $1.131370830e+01, v23;
	v48 =	vadd.f32 v1, v60;
	[tilespmem:s20+$0x4660] =	vst v7  }
0x167: {  	v35 =	vmul.f32 $1.131370830e+01, v24;
	v37 =	vld [tilespmem:s20+$0x4570];
	[tilespmem:s20+$0x46E0] =	vst v28;
	v8 =	vadd.f32 v30, v20  }
0x168: {  	v44 =	vld [tilespmem:s20+$0x4770];
	v4 =	vmul.f32 $1.131370830e+01, v26;
	v12 =	vadd.f32 v33, v20;
	[tilespmem:s20+$0x44F0] =	vst v48  }
0x169: {  	v2 =	vmul.f32 $1.131370830e+01, v29;
	v13 =	vadd.f32 v35, v20;
	v36 =	vld [tilespmem:s21+$0x9270];
	[tilespmem:s20+$0x4760] =	vst v8  }
0x16a: {  	v40 =	vld [tilespmem:s20+$0x46F0];
	v4 =	vadd.f32 v4, v20;
	v9 =	vmul.f32 $1.131370830e+01, v27;
	[tilespmem:s20+$0x47E0] =	vst v12  }
0x16b: {  	v47 =	vld [tilespmem:s20+$0x47F0];
	v7 =	vmul.f32 $1.131370830e+01, v32;
	v43 =	vadd.f32 v2, v60;
	[tilespmem:s20+$0x4860] =	vst v13  }
0x16c: {  	v46 =	vmul.f32 $1.131370830e+01, v37;
	v50 =	vld [tilespmem:s20+$0x4870];
	[tilespmem:s20+$0x48E0] =	vst v4;
	v41 =	vadd.f32 v9, v60  }
0x16d: {  	v49 =	vmul.f32 $1.131370830e+01, v38;
	v45 =	vadd.f32 v7, v60;
	[tilespmem:s20+$0x43F0] =	vst v43;
	v42 =	vld [tilespmem:s21+$0x92F0]  }
0x16e: {  	v53 =	vld [tilespmem:s20+$0x48F0];
	v52 =	vmul.f32 $1.131370830e+01, v39;
	[tilespmem:s20+$0x4370] =	vst v41;
	v51 =	vadd.f32 v46, v36  }
0x16f: {  	v55 =	vmul.f32 $1.131370830e+01, v40;
	[tilespmem:s20+$0x4470] =	vst v45;
	v54 =	vadd.f32 v49, v36  }
0x170: {  	v2 =	vmul.f32 $1.131370830e+01, v44;
	v56 =	vadd.f32 v52, v36;
	[tilespmem:s20+$0x4570] =	vst v51  }
0x171: {  	v58 =	vmul.f32 $1.131370830e+01, v47;
	v57 =	vadd.f32 v55, v36;
	[tilespmem:s20+$0x45F0] =	vst v54  }
0x172: {  	p0 =	slt.u32 s19, $0x1C;
	v59 =	vmul.f32 $1.131370830e+01, v50;
	[tilespmem:s20+$0x4670] =	vst v56;
	v2 =	vadd.f32 v2, v42  }
.Ltmp1:
0x173: {  	v61 =	vmul.f32 $1.131370830e+01, v53;
	[tilespmem:s20+$0x46F0] =	vst v57;
	v60 =	vadd.f32 v58, v42;
	(pc) =	sbr.rel @p0 .LBB2_4-.Ltmp1, $4  }
0x174: {  	v62 =	vadd.f32 v59, v42;
	[tilespmem:s20+$0x4770] =	vst v2  }
0x175: {  	v63 =	vadd.f32 v61, v42;
	[tilespmem:s20+$0x47F0] =	vst v60  }
0x176: {  	s31 =	sadd.s32 $0x4, s19;
	[tilespmem:s20+$0x4870] =	vst v62  }
0x177: {  	s19 =	smov.u32 s31;
	[tilespmem:s20+$0x48F0] =	vst v63  }
0x178: {  	[hbm4b:s7+s3] =	stream.linear.scatter [tilespmem:s13], [sflag:$0x3], $0x4000, $0x38;
	[tilespmem:$0xA100] =	vst v63  }
0x179: {  	s18 =	sadd.s32 $0x1, s18  }
0x17a: {  	_ =	swait.ge [sflag:s17], $0x4000;
	p0 =	sne.s32 s18, s8  }
.Ltmp2:
0x17b: {  	[sflag:s17] =	ssyncset.done $0x0;
	(pc) =	sbr.rel @p0 .LBB2_1-.Ltmp2, $4  }
0x17c: {  	[sflag:s17] =	ssyncadd.s32 $0xFFFFC000  }
0x17d: {  	_ =	swait.ge [sflag:s17], $0x4000  }
0x17e: {  	[sflag:s17] =	ssyncset.done $0x0  }
0x17f: {  	[sflag:s17] =	ssyncadd.s32 $0xFFFFC000  }
0x180: {  	_ =	sfence.sel $0x180000  }
0x181: {  	[bflag:$0x0] =	sbarrier.arrive $0xFFFF  }
0x182: {  	p0 =	sne.s32 s0, $0x0;
	_ =	strace $0x90000047  }
0x183: {  	s0 =	sadd.s32 @!p0 $0x100000, s1;
	[bflag:$0x2] =	sbarrier.arrive $0xFFFF  }
0x184: {  	[sflag:s0] =	ssyncadd.tile.s32 @!p0 $0x1;
	_ =	shalt  }
.Lfunc_end2:
_tile_overlayer_lowered:
.L_overlay_start_2:
0x185: {  	(tag) =	ssettag $0x2  }
0x186: {  	s0 =	rddreg [dreg:$0x0];
	s2 =	stileid.u32  }
0x187: {  	s1 =	rddreg [dreg:$0x1];
	p0 =	sne.s32 s2, $0x0  }
0x188: {  	s3 =	rddreg [dreg:$0x2];
	[bflag:$0x3] =	sbarrier.arrive $0xFFFF;
	s2 =	simm.s32 @!p0 $0x1C05  }
0x189: {  	[timem:s3], [sflag:s2] =	dma.local @!p0 [hbm:s0], s1  }
0x18a: {  	s0 =	simm.s32 @!p0 $0x5  }
0x18b: {  	_ =	swait.ge @!p0 [sflag:s0], s1  }
0x18c: {  	s1 =	ssub.s32 @!p0 $0x0, s1;
	[sflag:s0] =	ssyncset.done @!p0 $0x0  }
0x18d: {  	[sflag:s0] =	ssyncadd.s32 @!p0 s1  }
0x18e: {  	[bflag:$0x3] =	sbarrier.arrive $0xFFFF  }
0x18f: {  	_ =	shalt  }

</sc_bundles>
